<compile_context>
chip_gen: v7x
topology: tpu7x:2x2x1
jax: 0.10.2.dev20260603
libtpu: 0.0.44.dev20260713+nightly
codegen_flags: <defaults>
</compile_context>

<pallas_src>
import functools
import math

import jax
import jax.numpy as jnp
from jax import lax
from jax.experimental import pallas as pl
from jax.experimental.pallas import tpu as pltpu
from jax.experimental.pallas import tpu_sc as plsc

D_MODEL = 64
SCALE = math.sqrt(D_MODEL)

VOCAB = 1000000
NUM_WORKERS = 32
N_BATCH = 4096
N_TOK = 200
B_PER_W = N_BATCH // NUM_WORKERS
NBUF = 4
SPLIT = 104

PACK_W = 16384
PACK_GRID = (VOCAB + PACK_W - 1) // PACK_W
VOCAB_P = PACK_GRID * PACK_W


def _tc_pack_lut(lut):
    lut_t = jnp.transpose(lut)
    eye = jnp.eye(D_MODEL, dtype=jnp.float32)
    half = PACK_W // 2

    def body(in_ref, eye_ref, out_ref):
        dn = (((0,), (0,)), ((), ()))
        e = eye_ref[...]
        out_ref[:, 0:D_MODEL] = jax.lax.dot_general(
            in_ref[:, 0:half], e, dn,
            preferred_element_type=jnp.float32)
        out_ref[:, D_MODEL:2 * D_MODEL] = jax.lax.dot_general(
            in_ref[:, half:PACK_W], e, dn,
            preferred_element_type=jnp.float32)

    packed = pl.pallas_call(
        body,
        grid=(PACK_GRID,),
        in_specs=[pl.BlockSpec((D_MODEL, PACK_W), lambda i: (0, i)),
                  pl.BlockSpec((D_MODEL, D_MODEL), lambda i: (0, 0))],
        out_specs=pl.BlockSpec((half, 2 * D_MODEL), lambda i: (i, 0)),
        out_shape=jax.ShapeDtypeStruct((VOCAB_P // 2, 2 * D_MODEL),
                                       jnp.float32),
    )(lut_t, eye)
    return jnp.reshape(jnp.reshape(packed, (VOCAB_P * D_MODEL,)),
                       (VOCAB_P, D_MODEL))


def _permute_idx(x):
    hbits = 13
    return (jnp.left_shift(jnp.right_shift(x, hbits + 1), hbits + 1)
            + jnp.left_shift(jnp.bitwise_and(x, (1 << hbits) - 1), 1)
            + jnp.bitwise_and(jnp.right_shift(x, hbits), 1))


def _tc_finish(d2):
    def body(in_ref, out_ref):
        out_ref[...] = jnp.transpose(in_ref[...])

    out_t = pl.pallas_call(
        body,
        grid=(N_BATCH // 512, (N_TOK * D_MODEL) // 512),
        in_specs=[pl.BlockSpec((512, 512), lambda i, j: (i, j))],
        out_specs=pl.BlockSpec((512, 512), lambda i, j: (j, i)),
        out_shape=jax.ShapeDtypeStruct((N_TOK * D_MODEL, N_BATCH),
                                       jnp.float32),
    )(d2)
    out3 = jnp.reshape(out_t, (N_TOK, D_MODEL, N_BATCH))
    return jnp.transpose(out3, (2, 0, 1))


def _sc_embed(lut, x):
    mesh = plsc.VectorSubcoreMesh(core_axis_name="c", subcore_axis_name="s")
    info = plsc.get_sparse_core_info()
    nc = info.num_cores

    @functools.partial(
        pl.kernel,
        mesh=mesh,
        out_type=jax.ShapeDtypeStruct((N_BATCH, N_TOK * D_MODEL), jnp.float32),
        scratch_types=[
            pltpu.VMEM((B_PER_W, N_TOK), jnp.int32),
            pltpu.VMEM((NBUF, N_TOK, D_MODEL), jnp.float32),
            pltpu.VMEM((NBUF, N_TOK * D_MODEL), jnp.float32),
            pltpu.SemaphoreType.DMA((NBUF,)),
            pltpu.SemaphoreType.DMA((NBUF,)),
        ],
        compiler_params=pltpu.CompilerParams(use_tc_tiling_on_sc=False),
    )
    def k(lut_hbm, idx_hbm, out_hbm, idx_v, gbuf, sbuf, gsem, osem):
        wid = lax.axis_index("s") * nc + lax.axis_index("c")
        b0 = wid * B_PER_W
        pltpu.sync_copy(idx_hbm.at[pl.ds(b0, B_PER_W)], idx_v)

        def gather_start(s, i):
            pltpu.async_copy(lut_hbm.at[idx_v.at[i, pl.ds(0, SPLIT)]],
                             gbuf.at[s, pl.ds(0, SPLIT)], gsem.at[s])
            pltpu.async_copy(lut_hbm.at[idx_v.at[i, pl.ds(SPLIT, N_TOK - SPLIT)]],
                             gbuf.at[s, pl.ds(SPLIT, N_TOK - SPLIT)], gsem.at[s])

        def gather_wait(s, i):
            pltpu.make_async_copy(
                lut_hbm.at[idx_v.at[i, pl.ds(0, SPLIT)]],
                gbuf.at[s, pl.ds(0, SPLIT)], gsem.at[s]).wait()
            pltpu.make_async_copy(
                lut_hbm.at[idx_v.at[i, pl.ds(SPLIT, N_TOK - SPLIT)]],
                gbuf.at[s, pl.ds(SPLIT, N_TOK - SPLIT)], gsem.at[s]).wait()

        def out_start(s, i):
            pltpu.async_copy(sbuf.at[s], out_hbm.at[b0 + i], osem.at[s])

        def out_wait(s, i):
            pltpu.make_async_copy(sbuf.at[s], out_hbm.at[b0 + i],
                                  osem.at[s]).wait()

        for s in range(NBUF):
            gather_start(s, s)

        def body(it, carry):
            i0 = it * NBUF
            for s in range(NBUF):
                i = i0 + s

                @pl.when(i >= NBUF)
                def _():
                    out_wait(s, i - NBUF)

                gather_wait(s, i)

                def srow(r, c):
                    for q in range(D_MODEL // 16):
                        sbuf[s, pl.ds(r * D_MODEL + q * 16, 16)] = (
                            gbuf[s, r, pl.ds(q * 16, 16)] * SCALE)
                    return c

                lax.fori_loop(0, N_TOK, srow, 0)

                @pl.when(i + NBUF < B_PER_W)
                def _():
                    gather_start(s, i + NBUF)

                out_start(s, i)
            return carry

        lax.fori_loop(0, B_PER_W // NBUF, body, 0)

        for s in range(NBUF):
            out_wait(s, B_PER_W - NBUF + s)

    return k(lut, x)


def kernel(x, lut):
    lut_rm = _tc_pack_lut(lut)
    dense = _sc_embed(lut_rm, _permute_idx(x))
    return _tc_finish(dense)

# --- scband reference (transcript-rebuilt; emitter-appended) ---
"""Pipeline reference for scband-embedder-652835029610 (READ-ONLY COPY).

The authoritative reference and input builder live on the scoring server;
editing this copy changes nothing except your own understanding.
"""

import math
import jax, jax.numpy as jnp
import numpy as np

D_MODEL = 64
VOCAB_SIZE = 1000000

def setup_inputs(seed: int = 0) -> dict:
    key = jax.random.key(seed)
    k1, k2 = jax.random.split(key)
    x = jax.random.randint(k1, (4096, 200), 0, VOCAB_SIZE, dtype=jnp.int64 if jax.config.jax_enable_x64 else jnp.int32)
    lut = jax.random.normal(k2, (VOCAB_SIZE, D_MODEL), dtype=jnp.float32)
    return {"x": x, "lut": lut}

def reference(x, lut):
    # Faithful translation of Embedder.forward: embedding lookup then scale by sqrt(d_model)
    x_o = jnp.take(lut, x, axis=0)
    x_o = x_o * math.sqrt(D_MODEL)
    return x_o

if __name__ == "__main__":
    import jax
    _d = setup_inputs()
    print(jax.jit(kernel)(*tuple(_d.values())))

</pallas_src>

<mosaic_0001>
#map = affine_map<(d0, d1) -> (0, 0)>
module attributes {stable_mosaic.version = 14 : i64} {
  func.func @k(%arg0: i32, %arg1: i32, %arg2: memref<1015808x64xf32, #tpu.memory_space<hbm>>, %arg3: memref<4096x200xi32, #tpu.memory_space<hbm>>, %arg4: memref<4096x12800xf32, #tpu.memory_space<hbm>>, %arg5: memref<128x200xi32, #tpu.memory_space<vmem>>, %arg6: memref<4x200x64xf32, #tpu.memory_space<vmem>>, %arg7: memref<4x12800xf32, #tpu.memory_space<vmem>>, %arg8: memref<4x!tpu.dma_semaphore, #tpu.memory_space<semaphore_mem>>, %arg9: memref<4x!tpu.dma_semaphore, #tpu.memory_space<semaphore_mem>>) attributes {dimension_semantics = [#tpu.dimension_semantics<core_parallel>, #tpu.dimension_semantics<subcore_parallel>], iteration_bounds = array<i64: 2, 16>, scalar_prefetch = 0 : i64, scratch_operands = 5 : i64, tpu.core_type = #tpu.core_type<sc_vector_subcore>, window_params = [{transform_indices = #map}, {transform_indices = #map}, {transform_indices = #map}]} {
    %mul3A = arith.constant 2 : i32
    %mul3A_0 = arith.muli %arg1, %mul3A : i32
    %add3A = arith.addi %mul3A_0, %arg0 : i32
    %mul3A_1 = arith.constant 128 : i32
    %mul3A_2 = arith.muli %add3A, %mul3A_1 : i32
    "tpu.region"() ({
      %run_scoped3A = tpu.sem_alloc : memref<!tpu.dma_semaphore, #tpu.memory_space<semaphore_mem>>
      %dma_start3A_198 = arith.constant 0 : i32
      %dma_start3A_199 = tpu.memref_slice %arg3[%mul3A_2, %dma_start3A_198] : memref<4096x200xi32, #tpu.memory_space<hbm>> -> memref<128x200xi32, #tpu.memory_space<hbm>>
      %dma_start3A_200 = arith.constant 0 : i32
      %dma_start3A_201 = tpu.memref_slice %arg3[%mul3A_2, %dma_start3A_200] : memref<4096x200xi32, #tpu.memory_space<hbm>> -> memref<128x200xi32, #tpu.memory_space<hbm>>
      tpu.enqueue_dma source(%dma_start3A_201 : memref<128x200xi32, #tpu.memory_space<hbm>>) target(%arg5 : memref<128x200xi32, #tpu.memory_space<vmem>>) target_semaphore(%run_scoped3A : memref<!tpu.dma_semaphore, #tpu.memory_space<semaphore_mem>>)
      %dma_wait3A_202 = arith.constant 0 : i32
      %dma_wait3A_203 = tpu.memref_slice %arg3[%mul3A_2, %dma_wait3A_202] : memref<4096x200xi32, #tpu.memory_space<hbm>> -> memref<128x200xi32, #tpu.memory_space<hbm>>
      %dma_wait3A_204 = arith.constant 0 : i32
      %dma_wait3A_205 = tpu.memref_slice %arg3[%mul3A_2, %dma_wait3A_204] : memref<4096x200xi32, #tpu.memory_space<hbm>> -> memref<128x200xi32, #tpu.memory_space<hbm>>
      tpu.wait_dma2 semaphore(%run_scoped3A : memref<!tpu.dma_semaphore, #tpu.memory_space<semaphore_mem>>) src(%dma_wait3A_205 : memref<128x200xi32, #tpu.memory_space<hbm>>) dst(%arg5 : memref<128x200xi32, #tpu.memory_space<vmem>>)
      tpu.yield
    }) : () -> ()
    %dma_start3A = arith.constant 0 : i32
    %dma_start3A_3 = arith.constant 0 : i32
    %dma_start3A_4 = arith.constant 0 : i32
    %dma_start3A_5 = arith.constant 0 : i32
    %dma_start3A_6 = arith.constant 0 : i32
    %dma_start3A_7 = tpu.memref_slice %arg6[%dma_start3A_3, %dma_start3A_5, %dma_start3A_6] : memref<4x200x64xf32, #tpu.memory_space<vmem>> -> memref<1x104x64xf32, #tpu.memory_space<vmem>>
    %dma_start3A_8 = tpu.memref_squeeze %dma_start3A_7 : memref<1x104x64xf32, #tpu.memory_space<vmem>> -> memref<104x64xf32, #tpu.memory_space<vmem>>
    %dma_start3A_9 = arith.constant 0 : i32
    %dma_start3A_10 = tpu.memref_slice %arg5[%dma_start3A, %dma_start3A_9] : memref<128x200xi32, #tpu.memory_space<vmem>> -> memref<1x104xi32, #tpu.memory_space<vmem>>
    %dma_start3A_11 = tpu.memref_squeeze %dma_start3A_10 : memref<1x104xi32, #tpu.memory_space<vmem>> -> memref<104xi32, #tpu.memory_space<vmem>>
    %dma_start3A_12 = arith.constant 0 : i32
    %dma_start3A_13 = arith.constant 0 : i32
    %dma_start3A_14 = tpu.memref_slice %arg2[%dma_start3A_12, %dma_start3A_13] : memref<1015808x64xf32, #tpu.memory_space<hbm>> -> memref<1015808x64xf32, #tpu.memory_space<hbm>>
    %dma_start3A_15 = tpu.memref_slice %arg8[%dma_start3A_4] : memref<4x!tpu.dma_semaphore, #tpu.memory_space<semaphore_mem>> -> memref<1x!tpu.dma_semaphore, #tpu.memory_space<semaphore_mem>>
    %dma_start3A_16 = tpu.memref_squeeze %dma_start3A_15 : memref<1x!tpu.dma_semaphore, #tpu.memory_space<semaphore_mem>> -> memref<!tpu.dma_semaphore, #tpu.memory_space<semaphore_mem>>
    tpu.enqueue_indirect_dma source(%dma_start3A_14 : memref<1015808x64xf32, #tpu.memory_space<hbm>>) target(%dma_start3A_8 : memref<104x64xf32, #tpu.memory_space<vmem>>) offsets(%dma_start3A_11 : memref<104xi32, #tpu.memory_space<vmem>>) semaphore(%dma_start3A_16 : memref<!tpu.dma_semaphore, #tpu.memory_space<semaphore_mem>>)
    %dma_start3A_17 = arith.constant 0 : i32
    %dma_start3A_18 = arith.constant 0 : i32
    %dma_start3A_19 = arith.constant 0 : i32
    %dma_start3A_20 = arith.constant 104 : i32
    %dma_start3A_21 = arith.constant 0 : i32
    %dma_start3A_22 = tpu.memref_slice %arg6[%dma_start3A_18, %dma_start3A_20, %dma_start3A_21] : memref<4x200x64xf32, #tpu.memory_space<vmem>> -> memref<1x96x64xf32, #tpu.memory_space<vmem>>
    %dma_start3A_23 = tpu.memref_squeeze %dma_start3A_22 : memref<1x96x64xf32, #tpu.memory_space<vmem>> -> memref<96x64xf32, #tpu.memory_space<vmem>>
    %dma_start3A_24 = arith.constant 104 : i32
    %dma_start3A_25 = tpu.memref_slice %arg5[%dma_start3A_17, %dma_start3A_24] : memref<128x200xi32, #tpu.memory_space<vmem>> -> memref<1x96xi32, #tpu.memory_space<vmem>>
    %dma_start3A_26 = tpu.memref_squeeze %dma_start3A_25 : memref<1x96xi32, #tpu.memory_space<vmem>> -> memref<96xi32, #tpu.memory_space<vmem>>
    %dma_start3A_27 = arith.constant 0 : i32
    %dma_start3A_28 = arith.constant 0 : i32
    %dma_start3A_29 = tpu.memref_slice %arg2[%dma_start3A_27, %dma_start3A_28] : memref<1015808x64xf32, #tpu.memory_space<hbm>> -> memref<1015808x64xf32, #tpu.memory_space<hbm>>
    %dma_start3A_30 = tpu.memref_slice %arg8[%dma_start3A_19] : memref<4x!tpu.dma_semaphore, #tpu.memory_space<semaphore_mem>> -> memref<1x!tpu.dma_semaphore, #tpu.memory_space<semaphore_mem>>
    %dma_start3A_31 = tpu.memref_squeeze %dma_start3A_30 : memref<1x!tpu.dma_semaphore, #tpu.memory_space<semaphore_mem>> -> memref<!tpu.dma_semaphore, #tpu.memory_space<semaphore_mem>>
    tpu.enqueue_indirect_dma source(%dma_start3A_29 : memref<1015808x64xf32, #tpu.memory_space<hbm>>) target(%dma_start3A_23 : memref<96x64xf32, #tpu.memory_space<vmem>>) offsets(%dma_start3A_26 : memref<96xi32, #tpu.memory_space<vmem>>) semaphore(%dma_start3A_31 : memref<!tpu.dma_semaphore, #tpu.memory_space<semaphore_mem>>)
    %dma_start3A_32 = arith.constant 1 : i32
    %dma_start3A_33 = arith.constant 1 : i32
    %dma_start3A_34 = arith.constant 1 : i32
    %dma_start3A_35 = arith.constant 0 : i32
    %dma_start3A_36 = arith.constant 0 : i32
    %dma_start3A_37 = tpu.memref_slice %arg6[%dma_start3A_33, %dma_start3A_35, %dma_start3A_36] : memref<4x200x64xf32, #tpu.memory_space<vmem>> -> memref<1x104x64xf32, #tpu.memory_space<vmem>>
    %dma_start3A_38 = tpu.memref_squeeze %dma_start3A_37 : memref<1x104x64xf32, #tpu.memory_space<vmem>> -> memref<104x64xf32, #tpu.memory_space<vmem>>
    %dma_start3A_39 = arith.constant 0 : i32
    %dma_start3A_40 = tpu.memref_slice %arg5[%dma_start3A_32, %dma_start3A_39] : memref<128x200xi32, #tpu.memory_space<vmem>> -> memref<1x104xi32, #tpu.memory_space<vmem>>
    %dma_start3A_41 = tpu.memref_squeeze %dma_start3A_40 : memref<1x104xi32, #tpu.memory_space<vmem>> -> memref<104xi32, #tpu.memory_space<vmem>>
    %dma_start3A_42 = arith.constant 0 : i32
    %dma_start3A_43 = arith.constant 0 : i32
    %dma_start3A_44 = tpu.memref_slice %arg2[%dma_start3A_42, %dma_start3A_43] : memref<1015808x64xf32, #tpu.memory_space<hbm>> -> memref<1015808x64xf32, #tpu.memory_space<hbm>>
    %dma_start3A_45 = tpu.memref_slice %arg8[%dma_start3A_34] : memref<4x!tpu.dma_semaphore, #tpu.memory_space<semaphore_mem>> -> memref<1x!tpu.dma_semaphore, #tpu.memory_space<semaphore_mem>>
    %dma_start3A_46 = tpu.memref_squeeze %dma_start3A_45 : memref<1x!tpu.dma_semaphore, #tpu.memory_space<semaphore_mem>> -> memref<!tpu.dma_semaphore, #tpu.memory_space<semaphore_mem>>
    tpu.enqueue_indirect_dma source(%dma_start3A_44 : memref<1015808x64xf32, #tpu.memory_space<hbm>>) target(%dma_start3A_38 : memref<104x64xf32, #tpu.memory_space<vmem>>) offsets(%dma_start3A_41 : memref<104xi32, #tpu.memory_space<vmem>>) semaphore(%dma_start3A_46 : memref<!tpu.dma_semaphore, #tpu.memory_space<semaphore_mem>>)
    %dma_start3A_47 = arith.constant 1 : i32
    %dma_start3A_48 = arith.constant 1 : i32
    %dma_start3A_49 = arith.constant 1 : i32
    %dma_start3A_50 = arith.constant 104 : i32
    %dma_start3A_51 = arith.constant 0 : i32
    %dma_start3A_52 = tpu.memref_slice %arg6[%dma_start3A_48, %dma_start3A_50, %dma_start3A_51] : memref<4x200x64xf32, #tpu.memory_space<vmem>> -> memref<1x96x64xf32, #tpu.memory_space<vmem>>
    %dma_start3A_53 = tpu.memref_squeeze %dma_start3A_52 : memref<1x96x64xf32, #tpu.memory_space<vmem>> -> memref<96x64xf32, #tpu.memory_space<vmem>>
    %dma_start3A_54 = arith.constant 104 : i32
    %dma_start3A_55 = tpu.memref_slice %arg5[%dma_start3A_47, %dma_start3A_54] : memref<128x200xi32, #tpu.memory_space<vmem>> -> memref<1x96xi32, #tpu.memory_space<vmem>>
    %dma_start3A_56 = tpu.memref_squeeze %dma_start3A_55 : memref<1x96xi32, #tpu.memory_space<vmem>> -> memref<96xi32, #tpu.memory_space<vmem>>
    %dma_start3A_57 = arith.constant 0 : i32
    %dma_start3A_58 = arith.constant 0 : i32
    %dma_start3A_59 = tpu.memref_slice %arg2[%dma_start3A_57, %dma_start3A_58] : memref<1015808x64xf32, #tpu.memory_space<hbm>> -> memref<1015808x64xf32, #tpu.memory_space<hbm>>
    %dma_start3A_60 = tpu.memref_slice %arg8[%dma_start3A_49] : memref<4x!tpu.dma_semaphore, #tpu.memory_space<semaphore_mem>> -> memref<1x!tpu.dma_semaphore, #tpu.memory_space<semaphore_mem>>
    %dma_start3A_61 = tpu.memref_squeeze %dma_start3A_60 : memref<1x!tpu.dma_semaphore, #tpu.memory_space<semaphore_mem>> -> memref<!tpu.dma_semaphore, #tpu.memory_space<semaphore_mem>>
    tpu.enqueue_indirect_dma source(%dma_start3A_59 : memref<1015808x64xf32, #tpu.memory_space<hbm>>) target(%dma_start3A_53 : memref<96x64xf32, #tpu.memory_space<vmem>>) offsets(%dma_start3A_56 : memref<96xi32, #tpu.memory_space<vmem>>) semaphore(%dma_start3A_61 : memref<!tpu.dma_semaphore, #tpu.memory_space<semaphore_mem>>)
    %dma_start3A_62 = arith.constant 2 : i32
    %dma_start3A_63 = arith.constant 2 : i32
    %dma_start3A_64 = arith.constant 2 : i32
    %dma_start3A_65 = arith.constant 0 : i32
    %dma_start3A_66 = arith.constant 0 : i32
    %dma_start3A_67 = tpu.memref_slice %arg6[%dma_start3A_63, %dma_start3A_65, %dma_start3A_66] : memref<4x200x64xf32, #tpu.memory_space<vmem>> -> memref<1x104x64xf32, #tpu.memory_space<vmem>>
    %dma_start3A_68 = tpu.memref_squeeze %dma_start3A_67 : memref<1x104x64xf32, #tpu.memory_space<vmem>> -> memref<104x64xf32, #tpu.memory_space<vmem>>
    %dma_start3A_69 = arith.constant 0 : i32
    %dma_start3A_70 = tpu.memref_slice %arg5[%dma_start3A_62, %dma_start3A_69] : memref<128x200xi32, #tpu.memory_space<vmem>> -> memref<1x104xi32, #tpu.memory_space<vmem>>
    %dma_start3A_71 = tpu.memref_squeeze %dma_start3A_70 : memref<1x104xi32, #tpu.memory_space<vmem>> -> memref<104xi32, #tpu.memory_space<vmem>>
    %dma_start3A_72 = arith.constant 0 : i32
    %dma_start3A_73 = arith.constant 0 : i32
    %dma_start3A_74 = tpu.memref_slice %arg2[%dma_start3A_72, %dma_start3A_73] : memref<1015808x64xf32, #tpu.memory_space<hbm>> -> memref<1015808x64xf32, #tpu.memory_space<hbm>>
    %dma_start3A_75 = tpu.memref_slice %arg8[%dma_start3A_64] : memref<4x!tpu.dma_semaphore, #tpu.memory_space<semaphore_mem>> -> memref<1x!tpu.dma_semaphore, #tpu.memory_space<semaphore_mem>>
    %dma_start3A_76 = tpu.memref_squeeze %dma_start3A_75 : memref<1x!tpu.dma_semaphore, #tpu.memory_space<semaphore_mem>> -> memref<!tpu.dma_semaphore, #tpu.memory_space<semaphore_mem>>
    tpu.enqueue_indirect_dma source(%dma_start3A_74 : memref<1015808x64xf32, #tpu.memory_space<hbm>>) target(%dma_start3A_68 : memref<104x64xf32, #tpu.memory_space<vmem>>) offsets(%dma_start3A_71 : memref<104xi32, #tpu.memory_space<vmem>>) semaphore(%dma_start3A_76 : memref<!tpu.dma_semaphore, #tpu.memory_space<semaphore_mem>>)
    %dma_start3A_77 = arith.constant 2 : i32
    %dma_start3A_78 = arith.constant 2 : i32
    %dma_start3A_79 = arith.constant 2 : i32
    %dma_start3A_80 = arith.constant 104 : i32
    %dma_start3A_81 = arith.constant 0 : i32
    %dma_start3A_82 = tpu.memref_slice %arg6[%dma_start3A_78, %dma_start3A_80, %dma_start3A_81] : memref<4x200x64xf32, #tpu.memory_space<vmem>> -> memref<1x96x64xf32, #tpu.memory_space<vmem>>
    %dma_start3A_83 = tpu.memref_squeeze %dma_start3A_82 : memref<1x96x64xf32, #tpu.memory_space<vmem>> -> memref<96x64xf32, #tpu.memory_space<vmem>>
    %dma_start3A_84 = arith.constant 104 : i32
    %dma_start3A_85 = tpu.memref_slice %arg5[%dma_start3A_77, %dma_start3A_84] : memref<128x200xi32, #tpu.memory_space<vmem>> -> memref<1x96xi32, #tpu.memory_space<vmem>>
    %dma_start3A_86 = tpu.memref_squeeze %dma_start3A_85 : memref<1x96xi32, #tpu.memory_space<vmem>> -> memref<96xi32, #tpu.memory_space<vmem>>
    %dma_start3A_87 = arith.constant 0 : i32
    %dma_start3A_88 = arith.constant 0 : i32
    %dma_start3A_89 = tpu.memref_slice %arg2[%dma_start3A_87, %dma_start3A_88] : memref<1015808x64xf32, #tpu.memory_space<hbm>> -> memref<1015808x64xf32, #tpu.memory_space<hbm>>
    %dma_start3A_90 = tpu.memref_slice %arg8[%dma_start3A_79] : memref<4x!tpu.dma_semaphore, #tpu.memory_space<semaphore_mem>> -> memref<1x!tpu.dma_semaphore, #tpu.memory_space<semaphore_mem>>
    %dma_start3A_91 = tpu.memref_squeeze %dma_start3A_90 : memref<1x!tpu.dma_semaphore, #tpu.memory_space<semaphore_mem>> -> memref<!tpu.dma_semaphore, #tpu.memory_space<semaphore_mem>>
    tpu.enqueue_indirect_dma source(%dma_start3A_89 : memref<1015808x64xf32, #tpu.memory_space<hbm>>) target(%dma_start3A_83 : memref<96x64xf32, #tpu.memory_space<vmem>>) offsets(%dma_start3A_86 : memref<96xi32, #tpu.memory_space<vmem>>) semaphore(%dma_start3A_91 : memref<!tpu.dma_semaphore, #tpu.memory_space<semaphore_mem>>)
    %dma_start3A_92 = arith.constant 3 : i32
    %dma_start3A_93 = arith.constant 3 : i32
    %dma_start3A_94 = arith.constant 3 : i32
    %dma_start3A_95 = arith.constant 0 : i32
    %dma_start3A_96 = arith.constant 0 : i32
    %dma_start3A_97 = tpu.memref_slice %arg6[%dma_start3A_93, %dma_start3A_95, %dma_start3A_96] : memref<4x200x64xf32, #tpu.memory_space<vmem>> -> memref<1x104x64xf32, #tpu.memory_space<vmem>>
    %dma_start3A_98 = tpu.memref_squeeze %dma_start3A_97 : memref<1x104x64xf32, #tpu.memory_space<vmem>> -> memref<104x64xf32, #tpu.memory_space<vmem>>
    %dma_start3A_99 = arith.constant 0 : i32
    %dma_start3A_100 = tpu.memref_slice %arg5[%dma_start3A_92, %dma_start3A_99] : memref<128x200xi32, #tpu.memory_space<vmem>> -> memref<1x104xi32, #tpu.memory_space<vmem>>
    %dma_start3A_101 = tpu.memref_squeeze %dma_start3A_100 : memref<1x104xi32, #tpu.memory_space<vmem>> -> memref<104xi32, #tpu.memory_space<vmem>>
    %dma_start3A_102 = arith.constant 0 : i32
    %dma_start3A_103 = arith.constant 0 : i32
    %dma_start3A_104 = tpu.memref_slice %arg2[%dma_start3A_102, %dma_start3A_103] : memref<1015808x64xf32, #tpu.memory_space<hbm>> -> memref<1015808x64xf32, #tpu.memory_space<hbm>>
    %dma_start3A_105 = tpu.memref_slice %arg8[%dma_start3A_94] : memref<4x!tpu.dma_semaphore, #tpu.memory_space<semaphore_mem>> -> memref<1x!tpu.dma_semaphore, #tpu.memory_space<semaphore_mem>>
    %dma_start3A_106 = tpu.memref_squeeze %dma_start3A_105 : memref<1x!tpu.dma_semaphore, #tpu.memory_space<semaphore_mem>> -> memref<!tpu.dma_semaphore, #tpu.memory_space<semaphore_mem>>
    tpu.enqueue_indirect_dma source(%dma_start3A_104 : memref<1015808x64xf32, #tpu.memory_space<hbm>>) target(%dma_start3A_98 : memref<104x64xf32, #tpu.memory_space<vmem>>) offsets(%dma_start3A_101 : memref<104xi32, #tpu.memory_space<vmem>>) semaphore(%dma_start3A_106 : memref<!tpu.dma_semaphore, #tpu.memory_space<semaphore_mem>>)
    %dma_start3A_107 = arith.constant 3 : i32
    %dma_start3A_108 = arith.constant 3 : i32
    %dma_start3A_109 = arith.constant 3 : i32
    %dma_start3A_110 = arith.constant 104 : i32
    %dma_start3A_111 = arith.constant 0 : i32
    %dma_start3A_112 = tpu.memref_slice %arg6[%dma_start3A_108, %dma_start3A_110, %dma_start3A_111] : memref<4x200x64xf32, #tpu.memory_space<vmem>> -> memref<1x96x64xf32, #tpu.memory_space<vmem>>
    %dma_start3A_113 = tpu.memref_squeeze %dma_start3A_112 : memref<1x96x64xf32, #tpu.memory_space<vmem>> -> memref<96x64xf32, #tpu.memory_space<vmem>>
    %dma_start3A_114 = arith.constant 104 : i32
    %dma_start3A_115 = tpu.memref_slice %arg5[%dma_start3A_107, %dma_start3A_114] : memref<128x200xi32, #tpu.memory_space<vmem>> -> memref<1x96xi32, #tpu.memory_space<vmem>>
    %dma_start3A_116 = tpu.memref_squeeze %dma_start3A_115 : memref<1x96xi32, #tpu.memory_space<vmem>> -> memref<96xi32, #tpu.memory_space<vmem>>
    %dma_start3A_117 = arith.constant 0 : i32
    %dma_start3A_118 = arith.constant 0 : i32
    %dma_start3A_119 = tpu.memref_slice %arg2[%dma_start3A_117, %dma_start3A_118] : memref<1015808x64xf32, #tpu.memory_space<hbm>> -> memref<1015808x64xf32, #tpu.memory_space<hbm>>
    %dma_start3A_120 = tpu.memref_slice %arg8[%dma_start3A_109] : memref<4x!tpu.dma_semaphore, #tpu.memory_space<semaphore_mem>> -> memref<1x!tpu.dma_semaphore, #tpu.memory_space<semaphore_mem>>
    %dma_start3A_121 = tpu.memref_squeeze %dma_start3A_120 : memref<1x!tpu.dma_semaphore, #tpu.memory_space<semaphore_mem>> -> memref<!tpu.dma_semaphore, #tpu.memory_space<semaphore_mem>>
    tpu.enqueue_indirect_dma source(%dma_start3A_119 : memref<1015808x64xf32, #tpu.memory_space<hbm>>) target(%dma_start3A_113 : memref<96x64xf32, #tpu.memory_space<vmem>>) offsets(%dma_start3A_116 : memref<96xi32, #tpu.memory_space<vmem>>) semaphore(%dma_start3A_121 : memref<!tpu.dma_semaphore, #tpu.memory_space<semaphore_mem>>)
    %scan3A = arith.constant 0 : i32
    %scan3A_122 = arith.constant 0 : i32
    %scan3A_123 = arith.constant 32 : i32
    %scan3A_124 = arith.addi %scan3A_122, %scan3A_123 : i32
    %scan3A_125 = arith.constant 1 : i32
    scf.for %scan3A_198 = %scan3A_122 to %scan3A_124 step %scan3A_125  : i32 {
      %mul3A_199 = arith.constant 4 : i32
      %mul3A_200 = arith.muli %scan3A_198, %mul3A_199 : i32
      %add3A_201 = arith.constant 0 : i32
      %add3A_202 = arith.addi %mul3A_200, %add3A_201 : i32
      %ge3A = arith.constant 4 : i32
      %ge3A_203 = arith.cmpi sge, %add3A_202, %ge3A : i32
      %convert_element_type3A = arith.extui %ge3A_203 : i1 to i32
      %cond3A = arith.constant 0 : i32
      %cond3A_204 = arith.cmpi ne, %convert_element_type3A, %cond3A : i32
      scf.if %cond3A_204 {
        %sub3A = arith.constant 4 : i32
        %sub3A_457 = arith.subi %add3A_202, %sub3A : i32
        %add3A_458 = arith.addi %mul3A_2, %sub3A_457 : i32
        %dma_wait3A_459 = arith.constant 0 : i32
        %dma_wait3A_460 = arith.constant 0 : i32
        %dma_wait3A_461 = arith.constant 0 : i32
        %dma_wait3A_462 = tpu.memref_slice %arg7[%dma_wait3A_459, %dma_wait3A_461] : memref<4x12800xf32, #tpu.memory_space<vmem>> -> memref<1x12800xf32, #tpu.memory_space<vmem>>
        %dma_wait3A_463 = tpu.memref_squeeze %dma_wait3A_462 : memref<1x12800xf32, #tpu.memory_space<vmem>> -> memref<12800xf32, #tpu.memory_space<vmem>>
        %dma_wait3A_464 = arith.constant 0 : i32
        %dma_wait3A_465 = tpu.memref_slice %arg4[%add3A_458, %dma_wait3A_464] : memref<4096x12800xf32, #tpu.memory_space<hbm>> -> memref<1x12800xf32, #tpu.memory_space<hbm>>
        %dma_wait3A_466 = tpu.memref_squeeze %dma_wait3A_465 : memref<1x12800xf32, #tpu.memory_space<hbm>> -> memref<12800xf32, #tpu.memory_space<hbm>>
        %dma_wait3A_467 = tpu.memref_slice %arg9[%dma_wait3A_460] : memref<4x!tpu.dma_semaphore, #tpu.memory_space<semaphore_mem>> -> memref<1x!tpu.dma_semaphore, #tpu.memory_space<semaphore_mem>>
        %dma_wait3A_468 = tpu.memref_squeeze %dma_wait3A_467 : memref<1x!tpu.dma_semaphore, #tpu.memory_space<semaphore_mem>> -> memref<!tpu.dma_semaphore, #tpu.memory_space<semaphore_mem>>
        %dma_wait3A_469 = arith.constant 0 : i32
        %dma_wait3A_470 = tpu.memref_slice %arg4[%add3A_458, %dma_wait3A_469] : memref<4096x12800xf32, #tpu.memory_space<hbm>> -> memref<1x12800xf32, #tpu.memory_space<hbm>>
        %dma_wait3A_471 = tpu.memref_squeeze %dma_wait3A_470 : memref<1x12800xf32, #tpu.memory_space<hbm>> -> memref<12800xf32, #tpu.memory_space<hbm>>
        %dma_wait3A_472 = arith.constant 0 : i32
        %dma_wait3A_473 = tpu.memref_slice %arg7[%dma_wait3A_459, %dma_wait3A_472] : memref<4x12800xf32, #tpu.memory_space<vmem>> -> memref<1x12800xf32, #tpu.memory_space<vmem>>
        %dma_wait3A_474 = tpu.memref_squeeze %dma_wait3A_473 : memref<1x12800xf32, #tpu.memory_space<vmem>> -> memref<12800xf32, #tpu.memory_space<vmem>>
        tpu.wait_dma2 semaphore(%dma_wait3A_468 : memref<!tpu.dma_semaphore, #tpu.memory_space<semaphore_mem>>) src(%dma_wait3A_474 : memref<12800xf32, #tpu.memory_space<vmem>>) dst(%dma_wait3A_471 : memref<12800xf32, #tpu.memory_space<hbm>>)
      } else {
      }
      %dma_wait3A_205 = arith.constant 0 : i32
      %dma_wait3A_206 = arith.constant 0 : i32
      %dma_wait3A_207 = arith.constant 0 : i32
      %dma_wait3A_208 = arith.constant 0 : i32
      %dma_wait3A_209 = tpu.memref_slice %arg6[%dma_wait3A_205, %dma_wait3A_207, %dma_wait3A_208] : memref<4x200x64xf32, #tpu.memory_space<vmem>> -> memref<1x104x64xf32, #tpu.memory_space<vmem>>
      %dma_wait3A_210 = tpu.memref_squeeze %dma_wait3A_209 : memref<1x104x64xf32, #tpu.memory_space<vmem>> -> memref<104x64xf32, #tpu.memory_space<vmem>>
      %dma_wait3A_211 = arith.constant 0 : i32
      %dma_wait3A_212 = tpu.memref_slice %arg5[%add3A_202, %dma_wait3A_211] : memref<128x200xi32, #tpu.memory_space<vmem>> -> memref<1x104xi32, #tpu.memory_space<vmem>>
      %dma_wait3A_213 = tpu.memref_squeeze %dma_wait3A_212 : memref<1x104xi32, #tpu.memory_space<vmem>> -> memref<104xi32, #tpu.memory_space<vmem>>
      %dma_wait3A_214 = arith.constant 0 : i32
      %dma_wait3A_215 = arith.constant 0 : i32
      %dma_wait3A_216 = tpu.memref_slice %arg2[%dma_wait3A_214, %dma_wait3A_215] : memref<1015808x64xf32, #tpu.memory_space<hbm>> -> memref<1015808x64xf32, #tpu.memory_space<hbm>>
      %dma_wait3A_217 = tpu.memref_slice %arg8[%dma_wait3A_206] : memref<4x!tpu.dma_semaphore, #tpu.memory_space<semaphore_mem>> -> memref<1x!tpu.dma_semaphore, #tpu.memory_space<semaphore_mem>>
      %dma_wait3A_218 = tpu.memref_squeeze %dma_wait3A_217 : memref<1x!tpu.dma_semaphore, #tpu.memory_space<semaphore_mem>> -> memref<!tpu.dma_semaphore, #tpu.memory_space<semaphore_mem>>
      tpu.wait_indirect_dma semaphore(%dma_wait3A_218 : memref<!tpu.dma_semaphore, #tpu.memory_space<semaphore_mem>>) src(%dma_wait3A_216 : memref<1015808x64xf32, #tpu.memory_space<hbm>>) dst(%dma_wait3A_210 : memref<104x64xf32, #tpu.memory_space<vmem>>)
      %dma_wait3A_219 = arith.constant 0 : i32
      %dma_wait3A_220 = arith.constant 0 : i32
      %dma_wait3A_221 = arith.constant 104 : i32
      %dma_wait3A_222 = arith.constant 0 : i32
      %dma_wait3A_223 = tpu.memref_slice %arg6[%dma_wait3A_219, %dma_wait3A_221, %dma_wait3A_222] : memref<4x200x64xf32, #tpu.memory_space<vmem>> -> memref<1x96x64xf32, #tpu.memory_space<vmem>>
      %dma_wait3A_224 = tpu.memref_squeeze %dma_wait3A_223 : memref<1x96x64xf32, #tpu.memory_space<vmem>> -> memref<96x64xf32, #tpu.memory_space<vmem>>
      %dma_wait3A_225 = arith.constant 104 : i32
      %dma_wait3A_226 = tpu.memref_slice %arg5[%add3A_202, %dma_wait3A_225] : memref<128x200xi32, #tpu.memory_space<vmem>> -> memref<1x96xi32, #tpu.memory_space<vmem>>
      %dma_wait3A_227 = tpu.memref_squeeze %dma_wait3A_226 : memref<1x96xi32, #tpu.memory_space<vmem>> -> memref<96xi32, #tpu.memory_space<vmem>>
      %dma_wait3A_228 = arith.constant 0 : i32
      %dma_wait3A_229 = arith.constant 0 : i32
      %dma_wait3A_230 = tpu.memref_slice %arg2[%dma_wait3A_228, %dma_wait3A_229] : memref<1015808x64xf32, #tpu.memory_space<hbm>> -> memref<1015808x64xf32, #tpu.memory_space<hbm>>
      %dma_wait3A_231 = tpu.memref_slice %arg8[%dma_wait3A_220] : memref<4x!tpu.dma_semaphore, #tpu.memory_space<semaphore_mem>> -> memref<1x!tpu.dma_semaphore, #tpu.memory_space<semaphore_mem>>
      %dma_wait3A_232 = tpu.memref_squeeze %dma_wait3A_231 : memref<1x!tpu.dma_semaphore, #tpu.memory_space<semaphore_mem>> -> memref<!tpu.dma_semaphore, #tpu.memory_space<semaphore_mem>>
      tpu.wait_indirect_dma semaphore(%dma_wait3A_232 : memref<!tpu.dma_semaphore, #tpu.memory_space<semaphore_mem>>) src(%dma_wait3A_230 : memref<1015808x64xf32, #tpu.memory_space<hbm>>) dst(%dma_wait3A_224 : memref<96x64xf32, #tpu.memory_space<vmem>>)
      %scan3A_233 = arith.constant 0 : i32
      %scan3A_234 = arith.constant 0 : i32
      %scan3A_235 = arith.constant 200 : i32
      %scan3A_236 = arith.addi %scan3A_234, %scan3A_235 : i32
      %scan3A_237 = arith.constant 1 : i32
      scf.for %scan3A_457 = %scan3A_234 to %scan3A_236 step %scan3A_237  : i32 {
        %get3A = arith.constant 0 : i32
        %get3A_458 = arith.index_cast %get3A : i32 to index
        %get3A_459 = arith.index_cast %scan3A_457 : i32 to index
        %get3A_460 = arith.constant 0 : index
        %get3A_461 = tpu.vector_load %arg6[%get3A_458, %get3A_459, %get3A_460] {strides = array<i32>} : memref<4x200x64xf32, #tpu.memory_space<vmem>>, vector<1x1x16xf32>,
        %get3A_462 = vector.shape_cast %get3A_461 : vector<1x1x16xf32> to vector<16xf32>
        %mul3A_463 = arith.constant 8.000000e+00 : f32
        %mul3A_464 = vector.broadcast %mul3A_463 : f32 to vector<16xf32>
        %mul3A_465 = arith.mulf %get3A_462, %mul3A_464 : vector<16xf32>
        %mul3A_466 = arith.constant 64 : i32
        %mul3A_467 = arith.muli %scan3A_457, %mul3A_466 : i32
        %add3A_468 = arith.constant 0 : i32
        %add3A_469 = arith.addi %mul3A_467, %add3A_468 : i32
        %swap3A = arith.constant 0 : i32
        %swap3A_470 = arith.index_cast %swap3A : i32 to index
        %swap3A_471 = arith.index_cast %add3A_469 : i32 to index
        %swap3A_472 = tpu.vector_load %arg7[%swap3A_470, %swap3A_471] {strides = array<i32>} : memref<4x12800xf32, #tpu.memory_space<vmem>>, vector<1x16xf32>,
        %swap3A_473 = vector.shape_cast %swap3A_472 : vector<1x16xf32> to vector<16xf32>
        %swap3A_474 = vector.shape_cast %mul3A_465 : vector<16xf32> to vector<1x16xf32>
        tpu.vector_store %arg7[%swap3A_470, %swap3A_471], %swap3A_474 {strides = array<i32>} : memref<4x12800xf32, #tpu.memory_space<vmem>>, vector<1x16xf32>,
        %get3A_475 = arith.constant 0 : i32
        %get3A_476 = arith.index_cast %get3A_475 : i32 to index
        %get3A_477 = arith.index_cast %scan3A_457 : i32 to index
        %get3A_478 = arith.constant 16 : index
        %get3A_479 = tpu.vector_load %arg6[%get3A_476, %get3A_477, %get3A_478] {strides = array<i32>} : memref<4x200x64xf32, #tpu.memory_space<vmem>>, vector<1x1x16xf32>,
        %get3A_480 = vector.shape_cast %get3A_479 : vector<1x1x16xf32> to vector<16xf32>
        %mul3A_481 = arith.constant 8.000000e+00 : f32
        %mul3A_482 = vector.broadcast %mul3A_481 : f32 to vector<16xf32>
        %mul3A_483 = arith.mulf %get3A_480, %mul3A_482 : vector<16xf32>
        %mul3A_484 = arith.constant 64 : i32
        %mul3A_485 = arith.muli %scan3A_457, %mul3A_484 : i32
        %add3A_486 = arith.constant 16 : i32
        %add3A_487 = arith.addi %mul3A_485, %add3A_486 : i32
        %swap3A_488 = arith.constant 0 : i32
        %swap3A_489 = arith.index_cast %swap3A_488 : i32 to index
        %swap3A_490 = arith.index_cast %add3A_487 : i32 to index
        %swap3A_491 = tpu.vector_load %arg7[%swap3A_489, %swap3A_490] {strides = array<i32>} : memref<4x12800xf32, #tpu.memory_space<vmem>>, vector<1x16xf32>,
        %swap3A_492 = vector.shape_cast %swap3A_491 : vector<1x16xf32> to vector<16xf32>
        %swap3A_493 = vector.shape_cast %mul3A_483 : vector<16xf32> to vector<1x16xf32>
        tpu.vector_store %arg7[%swap3A_489, %swap3A_490], %swap3A_493 {strides = array<i32>} : memref<4x12800xf32, #tpu.memory_space<vmem>>, vector<1x16xf32>,
        %get3A_494 = arith.constant 0 : i32
        %get3A_495 = arith.index_cast %get3A_494 : i32 to index
        %get3A_496 = arith.index_cast %scan3A_457 : i32 to index
        %get3A_497 = arith.constant 32 : index
        %get3A_498 = tpu.vector_load %arg6[%get3A_495, %get3A_496, %get3A_497] {strides = array<i32>} : memref<4x200x64xf32, #tpu.memory_space<vmem>>, vector<1x1x16xf32>,
        %get3A_499 = vector.shape_cast %get3A_498 : vector<1x1x16xf32> to vector<16xf32>
        %mul3A_500 = arith.constant 8.000000e+00 : f32
        %mul3A_501 = vector.broadcast %mul3A_500 : f32 to vector<16xf32>
        %mul3A_502 = arith.mulf %get3A_499, %mul3A_501 : vector<16xf32>
        %mul3A_503 = arith.constant 64 : i32
        %mul3A_504 = arith.muli %scan3A_457, %mul3A_503 : i32
        %add3A_505 = arith.constant 32 : i32
        %add3A_506 = arith.addi %mul3A_504, %add3A_505 : i32
        %swap3A_507 = arith.constant 0 : i32
        %swap3A_508 = arith.index_cast %swap3A_507 : i32 to index
        %swap3A_509 = arith.index_cast %add3A_506 : i32 to index
        %swap3A_510 = tpu.vector_load %arg7[%swap3A_508, %swap3A_509] {strides = array<i32>} : memref<4x12800xf32, #tpu.memory_space<vmem>>, vector<1x16xf32>,
        %swap3A_511 = vector.shape_cast %swap3A_510 : vector<1x16xf32> to vector<16xf32>
        %swap3A_512 = vector.shape_cast %mul3A_502 : vector<16xf32> to vector<1x16xf32>
        tpu.vector_store %arg7[%swap3A_508, %swap3A_509], %swap3A_512 {strides = array<i32>} : memref<4x12800xf32, #tpu.memory_space<vmem>>, vector<1x16xf32>,
        %get3A_513 = arith.constant 0 : i32
        %get3A_514 = arith.index_cast %get3A_513 : i32 to index
        %get3A_515 = arith.index_cast %scan3A_457 : i32 to index
        %get3A_516 = arith.constant 48 : index
        %get3A_517 = tpu.vector_load %arg6[%get3A_514, %get3A_515, %get3A_516] {strides = array<i32>} : memref<4x200x64xf32, #tpu.memory_space<vmem>>, vector<1x1x16xf32>,
        %get3A_518 = vector.shape_cast %get3A_517 : vector<1x1x16xf32> to vector<16xf32>
        %mul3A_519 = arith.constant 8.000000e+00 : f32
        %mul3A_520 = vector.broadcast %mul3A_519 : f32 to vector<16xf32>
        %mul3A_521 = arith.mulf %get3A_518, %mul3A_520 : vector<16xf32>
        %mul3A_522 = arith.constant 64 : i32
        %mul3A_523 = arith.muli %scan3A_457, %mul3A_522 : i32
        %add3A_524 = arith.constant 48 : i32
        %add3A_525 = arith.addi %mul3A_523, %add3A_524 : i32
        %swap3A_526 = arith.constant 0 : i32
        %swap3A_527 = arith.index_cast %swap3A_526 : i32 to index
        %swap3A_528 = arith.index_cast %add3A_525 : i32 to index
        %swap3A_529 = tpu.vector_load %arg7[%swap3A_527, %swap3A_528] {strides = array<i32>} : memref<4x12800xf32, #tpu.memory_space<vmem>>, vector<1x16xf32>,
        %swap3A_530 = vector.shape_cast %swap3A_529 : vector<1x16xf32> to vector<16xf32>
        %swap3A_531 = vector.shape_cast %mul3A_521 : vector<16xf32> to vector<1x16xf32>
        tpu.vector_store %arg7[%swap3A_527, %swap3A_528], %swap3A_531 {strides = array<i32>} : memref<4x12800xf32, #tpu.memory_space<vmem>>, vector<1x16xf32>,
      }
      %scan3A_238 = arith.constant 200 : i32
      %add3A_239 = arith.constant 4 : i32
      %add3A_240 = arith.addi %add3A_202, %add3A_239 : i32
      %lt3A = arith.constant 128 : i32
      %lt3A_241 = arith.cmpi slt, %add3A_240, %lt3A : i32
      %convert_element_type3A_242 = arith.extui %lt3A_241 : i1 to i32
      %cond3A_243 = arith.constant 0 : i32
      %cond3A_244 = arith.cmpi ne, %convert_element_type3A_242, %cond3A_243 : i32
      scf.if %cond3A_244 {
        %add3A_457 = arith.constant 4 : i32
        %add3A_458 = arith.addi %add3A_202, %add3A_457 : i32
        %dma_start3A_459 = arith.constant 0 : i32
        %dma_start3A_460 = arith.constant 0 : i32
        %dma_start3A_461 = arith.constant 0 : i32
        %dma_start3A_462 = arith.constant 0 : i32
        %dma_start3A_463 = tpu.memref_slice %arg6[%dma_start3A_459, %dma_start3A_461, %dma_start3A_462] : memref<4x200x64xf32, #tpu.memory_space<vmem>> -> memref<1x104x64xf32, #tpu.memory_space<vmem>>
        %dma_start3A_464 = tpu.memref_squeeze %dma_start3A_463 : memref<1x104x64xf32, #tpu.memory_space<vmem>> -> memref<104x64xf32, #tpu.memory_space<vmem>>
        %dma_start3A_465 = arith.constant 0 : i32
        %dma_start3A_466 = tpu.memref_slice %arg5[%add3A_458, %dma_start3A_465] : memref<128x200xi32, #tpu.memory_space<vmem>> -> memref<1x104xi32, #tpu.memory_space<vmem>>
        %dma_start3A_467 = tpu.memref_squeeze %dma_start3A_466 : memref<1x104xi32, #tpu.memory_space<vmem>> -> memref<104xi32, #tpu.memory_space<vmem>>
        %dma_start3A_468 = arith.constant 0 : i32
        %dma_start3A_469 = arith.constant 0 : i32
        %dma_start3A_470 = tpu.memref_slice %arg2[%dma_start3A_468, %dma_start3A_469] : memref<1015808x64xf32, #tpu.memory_space<hbm>> -> memref<1015808x64xf32, #tpu.memory_space<hbm>>
        %dma_start3A_471 = tpu.memref_slice %arg8[%dma_start3A_460] : memref<4x!tpu.dma_semaphore, #tpu.memory_space<semaphore_mem>> -> memref<1x!tpu.dma_semaphore, #tpu.memory_space<semaphore_mem>>
        %dma_start3A_472 = tpu.memref_squeeze %dma_start3A_471 : memref<1x!tpu.dma_semaphore, #tpu.memory_space<semaphore_mem>> -> memref<!tpu.dma_semaphore, #tpu.memory_space<semaphore_mem>>
        tpu.enqueue_indirect_dma source(%dma_start3A_470 : memref<1015808x64xf32, #tpu.memory_space<hbm>>) target(%dma_start3A_464 : memref<104x64xf32, #tpu.memory_space<vmem>>) offsets(%dma_start3A_467 : memref<104xi32, #tpu.memory_space<vmem>>) semaphore(%dma_start3A_472 : memref<!tpu.dma_semaphore, #tpu.memory_space<semaphore_mem>>)
        %dma_start3A_473 = arith.constant 0 : i32
        %dma_start3A_474 = arith.constant 0 : i32
        %dma_start3A_475 = arith.constant 104 : i32
        %dma_start3A_476 = arith.constant 0 : i32
        %dma_start3A_477 = tpu.memref_slice %arg6[%dma_start3A_473, %dma_start3A_475, %dma_start3A_476] : memref<4x200x64xf32, #tpu.memory_space<vmem>> -> memref<1x96x64xf32, #tpu.memory_space<vmem>>
        %dma_start3A_478 = tpu.memref_squeeze %dma_start3A_477 : memref<1x96x64xf32, #tpu.memory_space<vmem>> -> memref<96x64xf32, #tpu.memory_space<vmem>>
        %dma_start3A_479 = arith.constant 104 : i32
        %dma_start3A_480 = tpu.memref_slice %arg5[%add3A_458, %dma_start3A_479] : memref<128x200xi32, #tpu.memory_space<vmem>> -> memref<1x96xi32, #tpu.memory_space<vmem>>
        %dma_start3A_481 = tpu.memref_squeeze %dma_start3A_480 : memref<1x96xi32, #tpu.memory_space<vmem>> -> memref<96xi32, #tpu.memory_space<vmem>>
        %dma_start3A_482 = arith.constant 0 : i32
        %dma_start3A_483 = arith.constant 0 : i32
        %dma_start3A_484 = tpu.memref_slice %arg2[%dma_start3A_482, %dma_start3A_483] : memref<1015808x64xf32, #tpu.memory_space<hbm>> -> memref<1015808x64xf32, #tpu.memory_space<hbm>>
        %dma_start3A_485 = tpu.memref_slice %arg8[%dma_start3A_474] : memref<4x!tpu.dma_semaphore, #tpu.memory_space<semaphore_mem>> -> memref<1x!tpu.dma_semaphore, #tpu.memory_space<semaphore_mem>>
        %dma_start3A_486 = tpu.memref_squeeze %dma_start3A_485 : memref<1x!tpu.dma_semaphore, #tpu.memory_space<semaphore_mem>> -> memref<!tpu.dma_semaphore, #tpu.memory_space<semaphore_mem>>
        tpu.enqueue_indirect_dma source(%dma_start3A_484 : memref<1015808x64xf32, #tpu.memory_space<hbm>>) target(%dma_start3A_478 : memref<96x64xf32, #tpu.memory_space<vmem>>) offsets(%dma_start3A_481 : memref<96xi32, #tpu.memory_space<vmem>>) semaphore(%dma_start3A_486 : memref<!tpu.dma_semaphore, #tpu.memory_space<semaphore_mem>>)
      } else {
      }
      %add3A_245 = arith.addi %mul3A_2, %add3A_202 : i32
      %dma_start3A_246 = arith.constant 0 : i32
      %dma_start3A_247 = arith.constant 0 : i32
      %dma_start3A_248 = arith.constant 0 : i32
      %dma_start3A_249 = tpu.memref_slice %arg7[%dma_start3A_246, %dma_start3A_248] : memref<4x12800xf32, #tpu.memory_space<vmem>> -> memref<1x12800xf32, #tpu.memory_space<vmem>>
      %dma_start3A_250 = tpu.memref_squeeze %dma_start3A_249 : memref<1x12800xf32, #tpu.memory_space<vmem>> -> memref<12800xf32, #tpu.memory_space<vmem>>
      %dma_start3A_251 = arith.constant 0 : i32
      %dma_start3A_252 = tpu.memref_slice %arg4[%add3A_245, %dma_start3A_251] : memref<4096x12800xf32, #tpu.memory_space<hbm>> -> memref<1x12800xf32, #tpu.memory_space<hbm>>
      %dma_start3A_253 = tpu.memref_squeeze %dma_start3A_252 : memref<1x12800xf32, #tpu.memory_space<hbm>> -> memref<12800xf32, #tpu.memory_space<hbm>>
      %dma_start3A_254 = tpu.memref_slice %arg9[%dma_start3A_247] : memref<4x!tpu.dma_semaphore, #tpu.memory_space<semaphore_mem>> -> memref<1x!tpu.dma_semaphore, #tpu.memory_space<semaphore_mem>>
      %dma_start3A_255 = tpu.memref_squeeze %dma_start3A_254 : memref<1x!tpu.dma_semaphore, #tpu.memory_space<semaphore_mem>> -> memref<!tpu.dma_semaphore, #tpu.memory_space<semaphore_mem>>
      %dma_start3A_256 = arith.constant 0 : i32
      %dma_start3A_257 = tpu.memref_slice %arg4[%add3A_245, %dma_start3A_256] : memref<4096x12800xf32, #tpu.memory_space<hbm>> -> memref<1x12800xf32, #tpu.memory_space<hbm>>
      %dma_start3A_258 = tpu.memref_squeeze %dma_start3A_257 : memref<1x12800xf32, #tpu.memory_space<hbm>> -> memref<12800xf32, #tpu.memory_space<hbm>>
      %dma_start3A_259 = arith.constant 0 : i32
      %dma_start3A_260 = tpu.memref_slice %arg7[%dma_start3A_246, %dma_start3A_259] : memref<4x12800xf32, #tpu.memory_space<vmem>> -> memref<1x12800xf32, #tpu.memory_space<vmem>>
      %dma_start3A_261 = tpu.memref_squeeze %dma_start3A_260 : memref<1x12800xf32, #tpu.memory_space<vmem>> -> memref<12800xf32, #tpu.memory_space<vmem>>
      tpu.enqueue_dma source(%dma_start3A_261 : memref<12800xf32, #tpu.memory_space<vmem>>) target(%dma_start3A_258 : memref<12800xf32, #tpu.memory_space<hbm>>) target_semaphore(%dma_start3A_255 : memref<!tpu.dma_semaphore, #tpu.memory_space<semaphore_mem>>)
      %add3A_262 = arith.constant 1 : i32
      %add3A_263 = arith.addi %mul3A_200, %add3A_262 : i32
      %ge3A_264 = arith.constant 4 : i32
      %ge3A_265 = arith.cmpi sge, %add3A_263, %ge3A_264 : i32
      %convert_element_type3A_266 = arith.extui %ge3A_265 : i1 to i32
      %cond3A_267 = arith.constant 0 : i32
      %cond3A_268 = arith.cmpi ne, %convert_element_type3A_266, %cond3A_267 : i32
      scf.if %cond3A_268 {
        %sub3A = arith.constant 4 : i32
        %sub3A_457 = arith.subi %add3A_263, %sub3A : i32
        %add3A_458 = arith.addi %mul3A_2, %sub3A_457 : i32
        %dma_wait3A_459 = arith.constant 1 : i32
        %dma_wait3A_460 = arith.constant 1 : i32
        %dma_wait3A_461 = arith.constant 0 : i32
        %dma_wait3A_462 = tpu.memref_slice %arg7[%dma_wait3A_459, %dma_wait3A_461] : memref<4x12800xf32, #tpu.memory_space<vmem>> -> memref<1x12800xf32, #tpu.memory_space<vmem>>
        %dma_wait3A_463 = tpu.memref_squeeze %dma_wait3A_462 : memref<1x12800xf32, #tpu.memory_space<vmem>> -> memref<12800xf32, #tpu.memory_space<vmem>>
        %dma_wait3A_464 = arith.constant 0 : i32
        %dma_wait3A_465 = tpu.memref_slice %arg4[%add3A_458, %dma_wait3A_464] : memref<4096x12800xf32, #tpu.memory_space<hbm>> -> memref<1x12800xf32, #tpu.memory_space<hbm>>
        %dma_wait3A_466 = tpu.memref_squeeze %dma_wait3A_465 : memref<1x12800xf32, #tpu.memory_space<hbm>> -> memref<12800xf32, #tpu.memory_space<hbm>>
        %dma_wait3A_467 = tpu.memref_slice %arg9[%dma_wait3A_460] : memref<4x!tpu.dma_semaphore, #tpu.memory_space<semaphore_mem>> -> memref<1x!tpu.dma_semaphore, #tpu.memory_space<semaphore_mem>>
        %dma_wait3A_468 = tpu.memref_squeeze %dma_wait3A_467 : memref<1x!tpu.dma_semaphore, #tpu.memory_space<semaphore_mem>> -> memref<!tpu.dma_semaphore, #tpu.memory_space<semaphore_mem>>
        %dma_wait3A_469 = arith.constant 0 : i32
        %dma_wait3A_470 = tpu.memref_slice %arg4[%add3A_458, %dma_wait3A_469] : memref<4096x12800xf32, #tpu.memory_space<hbm>> -> memref<1x12800xf32, #tpu.memory_space<hbm>>
        %dma_wait3A_471 = tpu.memref_squeeze %dma_wait3A_470 : memref<1x12800xf32, #tpu.memory_space<hbm>> -> memref<12800xf32, #tpu.memory_space<hbm>>
        %dma_wait3A_472 = arith.constant 0 : i32
        %dma_wait3A_473 = tpu.memref_slice %arg7[%dma_wait3A_459, %dma_wait3A_472] : memref<4x12800xf32, #tpu.memory_space<vmem>> -> memref<1x12800xf32, #tpu.memory_space<vmem>>
        %dma_wait3A_474 = tpu.memref_squeeze %dma_wait3A_473 : memref<1x12800xf32, #tpu.memory_space<vmem>> -> memref<12800xf32, #tpu.memory_space<vmem>>
        tpu.wait_dma2 semaphore(%dma_wait3A_468 : memref<!tpu.dma_semaphore, #tpu.memory_space<semaphore_mem>>) src(%dma_wait3A_474 : memref<12800xf32, #tpu.memory_space<vmem>>) dst(%dma_wait3A_471 : memref<12800xf32, #tpu.memory_space<hbm>>)
      } else {
      }
      %dma_wait3A_269 = arith.constant 1 : i32
      %dma_wait3A_270 = arith.constant 1 : i32
      %dma_wait3A_271 = arith.constant 0 : i32
      %dma_wait3A_272 = arith.constant 0 : i32
      %dma_wait3A_273 = tpu.memref_slice %arg6[%dma_wait3A_269, %dma_wait3A_271, %dma_wait3A_272] : memref<4x200x64xf32, #tpu.memory_space<vmem>> -> memref<1x104x64xf32, #tpu.memory_space<vmem>>
      %dma_wait3A_274 = tpu.memref_squeeze %dma_wait3A_273 : memref<1x104x64xf32, #tpu.memory_space<vmem>> -> memref<104x64xf32, #tpu.memory_space<vmem>>
      %dma_wait3A_275 = arith.constant 0 : i32
      %dma_wait3A_276 = tpu.memref_slice %arg5[%add3A_263, %dma_wait3A_275] : memref<128x200xi32, #tpu.memory_space<vmem>> -> memref<1x104xi32, #tpu.memory_space<vmem>>
      %dma_wait3A_277 = tpu.memref_squeeze %dma_wait3A_276 : memref<1x104xi32, #tpu.memory_space<vmem>> -> memref<104xi32, #tpu.memory_space<vmem>>
      %dma_wait3A_278 = arith.constant 0 : i32
      %dma_wait3A_279 = arith.constant 0 : i32
      %dma_wait3A_280 = tpu.memref_slice %arg2[%dma_wait3A_278, %dma_wait3A_279] : memref<1015808x64xf32, #tpu.memory_space<hbm>> -> memref<1015808x64xf32, #tpu.memory_space<hbm>>
      %dma_wait3A_281 = tpu.memref_slice %arg8[%dma_wait3A_270] : memref<4x!tpu.dma_semaphore, #tpu.memory_space<semaphore_mem>> -> memref<1x!tpu.dma_semaphore, #tpu.memory_space<semaphore_mem>>
      %dma_wait3A_282 = tpu.memref_squeeze %dma_wait3A_281 : memref<1x!tpu.dma_semaphore, #tpu.memory_space<semaphore_mem>> -> memref<!tpu.dma_semaphore, #tpu.memory_space<semaphore_mem>>
      tpu.wait_indirect_dma semaphore(%dma_wait3A_282 : memref<!tpu.dma_semaphore, #tpu.memory_space<semaphore_mem>>) src(%dma_wait3A_280 : memref<1015808x64xf32, #tpu.memory_space<hbm>>) dst(%dma_wait3A_274 : memref<104x64xf32, #tpu.memory_space<vmem>>)
      %dma_wait3A_283 = arith.constant 1 : i32
      %dma_wait3A_284 = arith.constant 1 : i32
      %dma_wait3A_285 = arith.constant 104 : i32
      %dma_wait3A_286 = arith.constant 0 : i32
      %dma_wait3A_287 = tpu.memref_slice %arg6[%dma_wait3A_283, %dma_wait3A_285, %dma_wait3A_286] : memref<4x200x64xf32, #tpu.memory_space<vmem>> -> memref<1x96x64xf32, #tpu.memory_space<vmem>>
      %dma_wait3A_288 = tpu.memref_squeeze %dma_wait3A_287 : memref<1x96x64xf32, #tpu.memory_space<vmem>> -> memref<96x64xf32, #tpu.memory_space<vmem>>
      %dma_wait3A_289 = arith.constant 104 : i32
      %dma_wait3A_290 = tpu.memref_slice %arg5[%add3A_263, %dma_wait3A_289] : memref<128x200xi32, #tpu.memory_space<vmem>> -> memref<1x96xi32, #tpu.memory_space<vmem>>
      %dma_wait3A_291 = tpu.memref_squeeze %dma_wait3A_290 : memref<1x96xi32, #tpu.memory_space<vmem>> -> memref<96xi32, #tpu.memory_space<vmem>>
      %dma_wait3A_292 = arith.constant 0 : i32
      %dma_wait3A_293 = arith.constant 0 : i32
      %dma_wait3A_294 = tpu.memref_slice %arg2[%dma_wait3A_292, %dma_wait3A_293] : memref<1015808x64xf32, #tpu.memory_space<hbm>> -> memref<1015808x64xf32, #tpu.memory_space<hbm>>
      %dma_wait3A_295 = tpu.memref_slice %arg8[%dma_wait3A_284] : memref<4x!tpu.dma_semaphore, #tpu.memory_space<semaphore_mem>> -> memref<1x!tpu.dma_semaphore, #tpu.memory_space<semaphore_mem>>
      %dma_wait3A_296 = tpu.memref_squeeze %dma_wait3A_295 : memref<1x!tpu.dma_semaphore, #tpu.memory_space<semaphore_mem>> -> memref<!tpu.dma_semaphore, #tpu.memory_space<semaphore_mem>>
      tpu.wait_indirect_dma semaphore(%dma_wait3A_296 : memref<!tpu.dma_semaphore, #tpu.memory_space<semaphore_mem>>) src(%dma_wait3A_294 : memref<1015808x64xf32, #tpu.memory_space<hbm>>) dst(%dma_wait3A_288 : memref<96x64xf32, #tpu.memory_space<vmem>>)
      %scan3A_297 = arith.constant 0 : i32
      %scan3A_298 = arith.constant 0 : i32
      %scan3A_299 = arith.constant 200 : i32
      %scan3A_300 = arith.addi %scan3A_298, %scan3A_299 : i32
      %scan3A_301 = arith.constant 1 : i32
      scf.for %scan3A_457 = %scan3A_298 to %scan3A_300 step %scan3A_301  : i32 {
        %get3A = arith.constant 1 : i32
        %get3A_458 = arith.index_cast %get3A : i32 to index
        %get3A_459 = arith.index_cast %scan3A_457 : i32 to index
        %get3A_460 = arith.constant 0 : index
        %get3A_461 = tpu.vector_load %arg6[%get3A_458, %get3A_459, %get3A_460] {strides = array<i32>} : memref<4x200x64xf32, #tpu.memory_space<vmem>>, vector<1x1x16xf32>,
        %get3A_462 = vector.shape_cast %get3A_461 : vector<1x1x16xf32> to vector<16xf32>
        %mul3A_463 = arith.constant 8.000000e+00 : f32
        %mul3A_464 = vector.broadcast %mul3A_463 : f32 to vector<16xf32>
        %mul3A_465 = arith.mulf %get3A_462, %mul3A_464 : vector<16xf32>
        %mul3A_466 = arith.constant 64 : i32
        %mul3A_467 = arith.muli %scan3A_457, %mul3A_466 : i32
        %add3A_468 = arith.constant 0 : i32
        %add3A_469 = arith.addi %mul3A_467, %add3A_468 : i32
        %swap3A = arith.constant 1 : i32
        %swap3A_470 = arith.index_cast %swap3A : i32 to index
        %swap3A_471 = arith.index_cast %add3A_469 : i32 to index
        %swap3A_472 = tpu.vector_load %arg7[%swap3A_470, %swap3A_471] {strides = array<i32>} : memref<4x12800xf32, #tpu.memory_space<vmem>>, vector<1x16xf32>,
        %swap3A_473 = vector.shape_cast %swap3A_472 : vector<1x16xf32> to vector<16xf32>
        %swap3A_474 = vector.shape_cast %mul3A_465 : vector<16xf32> to vector<1x16xf32>
        tpu.vector_store %arg7[%swap3A_470, %swap3A_471], %swap3A_474 {strides = array<i32>} : memref<4x12800xf32, #tpu.memory_space<vmem>>, vector<1x16xf32>,
        %get3A_475 = arith.constant 1 : i32
        %get3A_476 = arith.index_cast %get3A_475 : i32 to index
        %get3A_477 = arith.index_cast %scan3A_457 : i32 to index
        %get3A_478 = arith.constant 16 : index
        %get3A_479 = tpu.vector_load %arg6[%get3A_476, %get3A_477, %get3A_478] {strides = array<i32>} : memref<4x200x64xf32, #tpu.memory_space<vmem>>, vector<1x1x16xf32>,
        %get3A_480 = vector.shape_cast %get3A_479 : vector<1x1x16xf32> to vector<16xf32>
        %mul3A_481 = arith.constant 8.000000e+00 : f32
        %mul3A_482 = vector.broadcast %mul3A_481 : f32 to vector<16xf32>
        %mul3A_483 = arith.mulf %get3A_480, %mul3A_482 : vector<16xf32>
        %mul3A_484 = arith.constant 64 : i32
        %mul3A_485 = arith.muli %scan3A_457, %mul3A_484 : i32
        %add3A_486 = arith.constant 16 : i32
        %add3A_487 = arith.addi %mul3A_485, %add3A_486 : i32
        %swap3A_488 = arith.constant 1 : i32
        %swap3A_489 = arith.index_cast %swap3A_488 : i32 to index
        %swap3A_490 = arith.index_cast %add3A_487 : i32 to index
        %swap3A_491 = tpu.vector_load %arg7[%swap3A_489, %swap3A_490] {strides = array<i32>} : memref<4x12800xf32, #tpu.memory_space<vmem>>, vector<1x16xf32>,
        %swap3A_492 = vector.shape_cast %swap3A_491 : vector<1x16xf32> to vector<16xf32>
        %swap3A_493 = vector.shape_cast %mul3A_483 : vector<16xf32> to vector<1x16xf32>
        tpu.vector_store %arg7[%swap3A_489, %swap3A_490], %swap3A_493 {strides = array<i32>} : memref<4x12800xf32, #tpu.memory_space<vmem>>, vector<1x16xf32>,
        %get3A_494 = arith.constant 1 : i32
        %get3A_495 = arith.index_cast %get3A_494 : i32 to index
        %get3A_496 = arith.index_cast %scan3A_457 : i32 to index
        %get3A_497 = arith.constant 32 : index
        %get3A_498 = tpu.vector_load %arg6[%get3A_495, %get3A_496, %get3A_497] {strides = array<i32>} : memref<4x200x64xf32, #tpu.memory_space<vmem>>, vector<1x1x16xf32>,
        %get3A_499 = vector.shape_cast %get3A_498 : vector<1x1x16xf32> to vector<16xf32>
        %mul3A_500 = arith.constant 8.000000e+00 : f32
        %mul3A_501 = vector.broadcast %mul3A_500 : f32 to vector<16xf32>
        %mul3A_502 = arith.mulf %get3A_499, %mul3A_501 : vector<16xf32>
        %mul3A_503 = arith.constant 64 : i32
        %mul3A_504 = arith.muli %scan3A_457, %mul3A_503 : i32
        %add3A_505 = arith.constant 32 : i32
        %add3A_506 = arith.addi %mul3A_504, %add3A_505 : i32
        %swap3A_507 = arith.constant 1 : i32
        %swap3A_508 = arith.index_cast %swap3A_507 : i32 to index
        %swap3A_509 = arith.index_cast %add3A_506 : i32 to index
        %swap3A_510 = tpu.vector_load %arg7[%swap3A_508, %swap3A_509] {strides = array<i32>} : memref<4x12800xf32, #tpu.memory_space<vmem>>, vector<1x16xf32>,
        %swap3A_511 = vector.shape_cast %swap3A_510 : vector<1x16xf32> to vector<16xf32>
        %swap3A_512 = vector.shape_cast %mul3A_502 : vector<16xf32> to vector<1x16xf32>
        tpu.vector_store %arg7[%swap3A_508, %swap3A_509], %swap3A_512 {strides = array<i32>} : memref<4x12800xf32, #tpu.memory_space<vmem>>, vector<1x16xf32>,
        %get3A_513 = arith.constant 1 : i32
        %get3A_514 = arith.index_cast %get3A_513 : i32 to index
        %get3A_515 = arith.index_cast %scan3A_457 : i32 to index
        %get3A_516 = arith.constant 48 : index
        %get3A_517 = tpu.vector_load %arg6[%get3A_514, %get3A_515, %get3A_516] {strides = array<i32>} : memref<4x200x64xf32, #tpu.memory_space<vmem>>, vector<1x1x16xf32>,
        %get3A_518 = vector.shape_cast %get3A_517 : vector<1x1x16xf32> to vector<16xf32>
        %mul3A_519 = arith.constant 8.000000e+00 : f32
        %mul3A_520 = vector.broadcast %mul3A_519 : f32 to vector<16xf32>
        %mul3A_521 = arith.mulf %get3A_518, %mul3A_520 : vector<16xf32>
        %mul3A_522 = arith.constant 64 : i32
        %mul3A_523 = arith.muli %scan3A_457, %mul3A_522 : i32
        %add3A_524 = arith.constant 48 : i32
        %add3A_525 = arith.addi %mul3A_523, %add3A_524 : i32
        %swap3A_526 = arith.constant 1 : i32
        %swap3A_527 = arith.index_cast %swap3A_526 : i32 to index
        %swap3A_528 = arith.index_cast %add3A_525 : i32 to index
        %swap3A_529 = tpu.vector_load %arg7[%swap3A_527, %swap3A_528] {strides = array<i32>} : memref<4x12800xf32, #tpu.memory_space<vmem>>, vector<1x16xf32>,
        %swap3A_530 = vector.shape_cast %swap3A_529 : vector<1x16xf32> to vector<16xf32>
        %swap3A_531 = vector.shape_cast %mul3A_521 : vector<16xf32> to vector<1x16xf32>
        tpu.vector_store %arg7[%swap3A_527, %swap3A_528], %swap3A_531 {strides = array<i32>} : memref<4x12800xf32, #tpu.memory_space<vmem>>, vector<1x16xf32>,
      }
      %scan3A_302 = arith.constant 200 : i32
      %add3A_303 = arith.constant 4 : i32
      %add3A_304 = arith.addi %add3A_263, %add3A_303 : i32
      %lt3A_305 = arith.constant 128 : i32
      %lt3A_306 = arith.cmpi slt, %add3A_304, %lt3A_305 : i32
      %convert_element_type3A_307 = arith.extui %lt3A_306 : i1 to i32
      %cond3A_308 = arith.constant 0 : i32
      %cond3A_309 = arith.cmpi ne, %convert_element_type3A_307, %cond3A_308 : i32
      scf.if %cond3A_309 {
        %add3A_457 = arith.constant 4 : i32
        %add3A_458 = arith.addi %add3A_263, %add3A_457 : i32
        %dma_start3A_459 = arith.constant 1 : i32
        %dma_start3A_460 = arith.constant 1 : i32
        %dma_start3A_461 = arith.constant 0 : i32
        %dma_start3A_462 = arith.constant 0 : i32
        %dma_start3A_463 = tpu.memref_slice %arg6[%dma_start3A_459, %dma_start3A_461, %dma_start3A_462] : memref<4x200x64xf32, #tpu.memory_space<vmem>> -> memref<1x104x64xf32, #tpu.memory_space<vmem>>
        %dma_start3A_464 = tpu.memref_squeeze %dma_start3A_463 : memref<1x104x64xf32, #tpu.memory_space<vmem>> -> memref<104x64xf32, #tpu.memory_space<vmem>>
        %dma_start3A_465 = arith.constant 0 : i32
        %dma_start3A_466 = tpu.memref_slice %arg5[%add3A_458, %dma_start3A_465] : memref<128x200xi32, #tpu.memory_space<vmem>> -> memref<1x104xi32, #tpu.memory_space<vmem>>
        %dma_start3A_467 = tpu.memref_squeeze %dma_start3A_466 : memref<1x104xi32, #tpu.memory_space<vmem>> -> memref<104xi32, #tpu.memory_space<vmem>>
        %dma_start3A_468 = arith.constant 0 : i32
        %dma_start3A_469 = arith.constant 0 : i32
        %dma_start3A_470 = tpu.memref_slice %arg2[%dma_start3A_468, %dma_start3A_469] : memref<1015808x64xf32, #tpu.memory_space<hbm>> -> memref<1015808x64xf32, #tpu.memory_space<hbm>>
        %dma_start3A_471 = tpu.memref_slice %arg8[%dma_start3A_460] : memref<4x!tpu.dma_semaphore, #tpu.memory_space<semaphore_mem>> -> memref<1x!tpu.dma_semaphore, #tpu.memory_space<semaphore_mem>>
        %dma_start3A_472 = tpu.memref_squeeze %dma_start3A_471 : memref<1x!tpu.dma_semaphore, #tpu.memory_space<semaphore_mem>> -> memref<!tpu.dma_semaphore, #tpu.memory_space<semaphore_mem>>
        tpu.enqueue_indirect_dma source(%dma_start3A_470 : memref<1015808x64xf32, #tpu.memory_space<hbm>>) target(%dma_start3A_464 : memref<104x64xf32, #tpu.memory_space<vmem>>) offsets(%dma_start3A_467 : memref<104xi32, #tpu.memory_space<vmem>>) semaphore(%dma_start3A_472 : memref<!tpu.dma_semaphore, #tpu.memory_space<semaphore_mem>>)
        %dma_start3A_473 = arith.constant 1 : i32
        %dma_start3A_474 = arith.constant 1 : i32
        %dma_start3A_475 = arith.constant 104 : i32
        %dma_start3A_476 = arith.constant 0 : i32
        %dma_start3A_477 = tpu.memref_slice %arg6[%dma_start3A_473, %dma_start3A_475, %dma_start3A_476] : memref<4x200x64xf32, #tpu.memory_space<vmem>> -> memref<1x96x64xf32, #tpu.memory_space<vmem>>
        %dma_start3A_478 = tpu.memref_squeeze %dma_start3A_477 : memref<1x96x64xf32, #tpu.memory_space<vmem>> -> memref<96x64xf32, #tpu.memory_space<vmem>>
        %dma_start3A_479 = arith.constant 104 : i32
        %dma_start3A_480 = tpu.memref_slice %arg5[%add3A_458, %dma_start3A_479] : memref<128x200xi32, #tpu.memory_space<vmem>> -> memref<1x96xi32, #tpu.memory_space<vmem>>
        %dma_start3A_481 = tpu.memref_squeeze %dma_start3A_480 : memref<1x96xi32, #tpu.memory_space<vmem>> -> memref<96xi32, #tpu.memory_space<vmem>>
        %dma_start3A_482 = arith.constant 0 : i32
        %dma_start3A_483 = arith.constant 0 : i32
        %dma_start3A_484 = tpu.memref_slice %arg2[%dma_start3A_482, %dma_start3A_483] : memref<1015808x64xf32, #tpu.memory_space<hbm>> -> memref<1015808x64xf32, #tpu.memory_space<hbm>>
        %dma_start3A_485 = tpu.memref_slice %arg8[%dma_start3A_474] : memref<4x!tpu.dma_semaphore, #tpu.memory_space<semaphore_mem>> -> memref<1x!tpu.dma_semaphore, #tpu.memory_space<semaphore_mem>>
        %dma_start3A_486 = tpu.memref_squeeze %dma_start3A_485 : memref<1x!tpu.dma_semaphore, #tpu.memory_space<semaphore_mem>> -> memref<!tpu.dma_semaphore, #tpu.memory_space<semaphore_mem>>
        tpu.enqueue_indirect_dma source(%dma_start3A_484 : memref<1015808x64xf32, #tpu.memory_space<hbm>>) target(%dma_start3A_478 : memref<96x64xf32, #tpu.memory_space<vmem>>) offsets(%dma_start3A_481 : memref<96xi32, #tpu.memory_space<vmem>>) semaphore(%dma_start3A_486 : memref<!tpu.dma_semaphore, #tpu.memory_space<semaphore_mem>>)
      } else {
      }
      %add3A_310 = arith.addi %mul3A_2, %add3A_263 : i32
      %dma_start3A_311 = arith.constant 1 : i32
      %dma_start3A_312 = arith.constant 1 : i32
      %dma_start3A_313 = arith.constant 0 : i32
      %dma_start3A_314 = tpu.memref_slice %arg7[%dma_start3A_311, %dma_start3A_313] : memref<4x12800xf32, #tpu.memory_space<vmem>> -> memref<1x12800xf32, #tpu.memory_space<vmem>>
      %dma_start3A_315 = tpu.memref_squeeze %dma_start3A_314 : memref<1x12800xf32, #tpu.memory_space<vmem>> -> memref<12800xf32, #tpu.memory_space<vmem>>
      %dma_start3A_316 = arith.constant 0 : i32
      %dma_start3A_317 = tpu.memref_slice %arg4[%add3A_310, %dma_start3A_316] : memref<4096x12800xf32, #tpu.memory_space<hbm>> -> memref<1x12800xf32, #tpu.memory_space<hbm>>
      %dma_start3A_318 = tpu.memref_squeeze %dma_start3A_317 : memref<1x12800xf32, #tpu.memory_space<hbm>> -> memref<12800xf32, #tpu.memory_space<hbm>>
      %dma_start3A_319 = tpu.memref_slice %arg9[%dma_start3A_312] : memref<4x!tpu.dma_semaphore, #tpu.memory_space<semaphore_mem>> -> memref<1x!tpu.dma_semaphore, #tpu.memory_space<semaphore_mem>>
      %dma_start3A_320 = tpu.memref_squeeze %dma_start3A_319 : memref<1x!tpu.dma_semaphore, #tpu.memory_space<semaphore_mem>> -> memref<!tpu.dma_semaphore, #tpu.memory_space<semaphore_mem>>
      %dma_start3A_321 = arith.constant 0 : i32
      %dma_start3A_322 = tpu.memref_slice %arg4[%add3A_310, %dma_start3A_321] : memref<4096x12800xf32, #tpu.memory_space<hbm>> -> memref<1x12800xf32, #tpu.memory_space<hbm>>
      %dma_start3A_323 = tpu.memref_squeeze %dma_start3A_322 : memref<1x12800xf32, #tpu.memory_space<hbm>> -> memref<12800xf32, #tpu.memory_space<hbm>>
      %dma_start3A_324 = arith.constant 0 : i32
      %dma_start3A_325 = tpu.memref_slice %arg7[%dma_start3A_311, %dma_start3A_324] : memref<4x12800xf32, #tpu.memory_space<vmem>> -> memref<1x12800xf32, #tpu.memory_space<vmem>>
      %dma_start3A_326 = tpu.memref_squeeze %dma_start3A_325 : memref<1x12800xf32, #tpu.memory_space<vmem>> -> memref<12800xf32, #tpu.memory_space<vmem>>
      tpu.enqueue_dma source(%dma_start3A_326 : memref<12800xf32, #tpu.memory_space<vmem>>) target(%dma_start3A_323 : memref<12800xf32, #tpu.memory_space<hbm>>) target_semaphore(%dma_start3A_320 : memref<!tpu.dma_semaphore, #tpu.memory_space<semaphore_mem>>)
      %add3A_327 = arith.constant 2 : i32
      %add3A_328 = arith.addi %mul3A_200, %add3A_327 : i32
      %ge3A_329 = arith.constant 4 : i32
      %ge3A_330 = arith.cmpi sge, %add3A_328, %ge3A_329 : i32
      %convert_element_type3A_331 = arith.extui %ge3A_330 : i1 to i32
      %cond3A_332 = arith.constant 0 : i32
      %cond3A_333 = arith.cmpi ne, %convert_element_type3A_331, %cond3A_332 : i32
      scf.if %cond3A_333 {
        %sub3A = arith.constant 4 : i32
        %sub3A_457 = arith.subi %add3A_328, %sub3A : i32
        %add3A_458 = arith.addi %mul3A_2, %sub3A_457 : i32
        %dma_wait3A_459 = arith.constant 2 : i32
        %dma_wait3A_460 = arith.constant 2 : i32
        %dma_wait3A_461 = arith.constant 0 : i32
        %dma_wait3A_462 = tpu.memref_slice %arg7[%dma_wait3A_459, %dma_wait3A_461] : memref<4x12800xf32, #tpu.memory_space<vmem>> -> memref<1x12800xf32, #tpu.memory_space<vmem>>
        %dma_wait3A_463 = tpu.memref_squeeze %dma_wait3A_462 : memref<1x12800xf32, #tpu.memory_space<vmem>> -> memref<12800xf32, #tpu.memory_space<vmem>>
        %dma_wait3A_464 = arith.constant 0 : i32
        %dma_wait3A_465 = tpu.memref_slice %arg4[%add3A_458, %dma_wait3A_464] : memref<4096x12800xf32, #tpu.memory_space<hbm>> -> memref<1x12800xf32, #tpu.memory_space<hbm>>
        %dma_wait3A_466 = tpu.memref_squeeze %dma_wait3A_465 : memref<1x12800xf32, #tpu.memory_space<hbm>> -> memref<12800xf32, #tpu.memory_space<hbm>>
        %dma_wait3A_467 = tpu.memref_slice %arg9[%dma_wait3A_460] : memref<4x!tpu.dma_semaphore, #tpu.memory_space<semaphore_mem>> -> memref<1x!tpu.dma_semaphore, #tpu.memory_space<semaphore_mem>>
        %dma_wait3A_468 = tpu.memref_squeeze %dma_wait3A_467 : memref<1x!tpu.dma_semaphore, #tpu.memory_space<semaphore_mem>> -> memref<!tpu.dma_semaphore, #tpu.memory_space<semaphore_mem>>
        %dma_wait3A_469 = arith.constant 0 : i32
        %dma_wait3A_470 = tpu.memref_slice %arg4[%add3A_458, %dma_wait3A_469] : memref<4096x12800xf32, #tpu.memory_space<hbm>> -> memref<1x12800xf32, #tpu.memory_space<hbm>>
        %dma_wait3A_471 = tpu.memref_squeeze %dma_wait3A_470 : memref<1x12800xf32, #tpu.memory_space<hbm>> -> memref<12800xf32, #tpu.memory_space<hbm>>
        %dma_wait3A_472 = arith.constant 0 : i32
        %dma_wait3A_473 = tpu.memref_slice %arg7[%dma_wait3A_459, %dma_wait3A_472] : memref<4x12800xf32, #tpu.memory_space<vmem>> -> memref<1x12800xf32, #tpu.memory_space<vmem>>
        %dma_wait3A_474 = tpu.memref_squeeze %dma_wait3A_473 : memref<1x12800xf32, #tpu.memory_space<vmem>> -> memref<12800xf32, #tpu.memory_space<vmem>>
        tpu.wait_dma2 semaphore(%dma_wait3A_468 : memref<!tpu.dma_semaphore, #tpu.memory_space<semaphore_mem>>) src(%dma_wait3A_474 : memref<12800xf32, #tpu.memory_space<vmem>>) dst(%dma_wait3A_471 : memref<12800xf32, #tpu.memory_space<hbm>>)
      } else {
      }
      %dma_wait3A_334 = arith.constant 2 : i32
      %dma_wait3A_335 = arith.constant 2 : i32
      %dma_wait3A_336 = arith.constant 0 : i32
      %dma_wait3A_337 = arith.constant 0 : i32
      %dma_wait3A_338 = tpu.memref_slice %arg6[%dma_wait3A_334, %dma_wait3A_336, %dma_wait3A_337] : memref<4x200x64xf32, #tpu.memory_space<vmem>> -> memref<1x104x64xf32, #tpu.memory_space<vmem>>
      %dma_wait3A_339 = tpu.memref_squeeze %dma_wait3A_338 : memref<1x104x64xf32, #tpu.memory_space<vmem>> -> memref<104x64xf32, #tpu.memory_space<vmem>>
      %dma_wait3A_340 = arith.constant 0 : i32
      %dma_wait3A_341 = tpu.memref_slice %arg5[%add3A_328, %dma_wait3A_340] : memref<128x200xi32, #tpu.memory_space<vmem>> -> memref<1x104xi32, #tpu.memory_space<vmem>>
      %dma_wait3A_342 = tpu.memref_squeeze %dma_wait3A_341 : memref<1x104xi32, #tpu.memory_space<vmem>> -> memref<104xi32, #tpu.memory_space<vmem>>
      %dma_wait3A_343 = arith.constant 0 : i32
      %dma_wait3A_344 = arith.constant 0 : i32
      %dma_wait3A_345 = tpu.memref_slice %arg2[%dma_wait3A_343, %dma_wait3A_344] : memref<1015808x64xf32, #tpu.memory_space<hbm>> -> memref<1015808x64xf32, #tpu.memory_space<hbm>>
      %dma_wait3A_346 = tpu.memref_slice %arg8[%dma_wait3A_335] : memref<4x!tpu.dma_semaphore, #tpu.memory_space<semaphore_mem>> -> memref<1x!tpu.dma_semaphore, #tpu.memory_space<semaphore_mem>>
      %dma_wait3A_347 = tpu.memref_squeeze %dma_wait3A_346 : memref<1x!tpu.dma_semaphore, #tpu.memory_space<semaphore_mem>> -> memref<!tpu.dma_semaphore, #tpu.memory_space<semaphore_mem>>
      tpu.wait_indirect_dma semaphore(%dma_wait3A_347 : memref<!tpu.dma_semaphore, #tpu.memory_space<semaphore_mem>>) src(%dma_wait3A_345 : memref<1015808x64xf32, #tpu.memory_space<hbm>>) dst(%dma_wait3A_339 : memref<104x64xf32, #tpu.memory_space<vmem>>)
      %dma_wait3A_348 = arith.constant 2 : i32
      %dma_wait3A_349 = arith.constant 2 : i32
      %dma_wait3A_350 = arith.constant 104 : i32
      %dma_wait3A_351 = arith.constant 0 : i32
      %dma_wait3A_352 = tpu.memref_slice %arg6[%dma_wait3A_348, %dma_wait3A_350, %dma_wait3A_351] : memref<4x200x64xf32, #tpu.memory_space<vmem>> -> memref<1x96x64xf32, #tpu.memory_space<vmem>>
      %dma_wait3A_353 = tpu.memref_squeeze %dma_wait3A_352 : memref<1x96x64xf32, #tpu.memory_space<vmem>> -> memref<96x64xf32, #tpu.memory_space<vmem>>
      %dma_wait3A_354 = arith.constant 104 : i32
      %dma_wait3A_355 = tpu.memref_slice %arg5[%add3A_328, %dma_wait3A_354] : memref<128x200xi32, #tpu.memory_space<vmem>> -> memref<1x96xi32, #tpu.memory_space<vmem>>
      %dma_wait3A_356 = tpu.memref_squeeze %dma_wait3A_355 : memref<1x96xi32, #tpu.memory_space<vmem>> -> memref<96xi32, #tpu.memory_space<vmem>>
      %dma_wait3A_357 = arith.constant 0 : i32
      %dma_wait3A_358 = arith.constant 0 : i32
      %dma_wait3A_359 = tpu.memref_slice %arg2[%dma_wait3A_357, %dma_wait3A_358] : memref<1015808x64xf32, #tpu.memory_space<hbm>> -> memref<1015808x64xf32, #tpu.memory_space<hbm>>
      %dma_wait3A_360 = tpu.memref_slice %arg8[%dma_wait3A_349] : memref<4x!tpu.dma_semaphore, #tpu.memory_space<semaphore_mem>> -> memref<1x!tpu.dma_semaphore, #tpu.memory_space<semaphore_mem>>
      %dma_wait3A_361 = tpu.memref_squeeze %dma_wait3A_360 : memref<1x!tpu.dma_semaphore, #tpu.memory_space<semaphore_mem>> -> memref<!tpu.dma_semaphore, #tpu.memory_space<semaphore_mem>>
      tpu.wait_indirect_dma semaphore(%dma_wait3A_361 : memref<!tpu.dma_semaphore, #tpu.memory_space<semaphore_mem>>) src(%dma_wait3A_359 : memref<1015808x64xf32, #tpu.memory_space<hbm>>) dst(%dma_wait3A_353 : memref<96x64xf32, #tpu.memory_space<vmem>>)
      %scan3A_362 = arith.constant 0 : i32
      %scan3A_363 = arith.constant 0 : i32
      %scan3A_364 = arith.constant 200 : i32
      %scan3A_365 = arith.addi %scan3A_363, %scan3A_364 : i32
      %scan3A_366 = arith.constant 1 : i32
      scf.for %scan3A_457 = %scan3A_363 to %scan3A_365 step %scan3A_366  : i32 {
        %get3A = arith.constant 2 : i32
        %get3A_458 = arith.index_cast %get3A : i32 to index
        %get3A_459 = arith.index_cast %scan3A_457 : i32 to index
        %get3A_460 = arith.constant 0 : index
        %get3A_461 = tpu.vector_load %arg6[%get3A_458, %get3A_459, %get3A_460] {strides = array<i32>} : memref<4x200x64xf32, #tpu.memory_space<vmem>>, vector<1x1x16xf32>,
        %get3A_462 = vector.shape_cast %get3A_461 : vector<1x1x16xf32> to vector<16xf32>
        %mul3A_463 = arith.constant 8.000000e+00 : f32
        %mul3A_464 = vector.broadcast %mul3A_463 : f32 to vector<16xf32>
        %mul3A_465 = arith.mulf %get3A_462, %mul3A_464 : vector<16xf32>
        %mul3A_466 = arith.constant 64 : i32
        %mul3A_467 = arith.muli %scan3A_457, %mul3A_466 : i32
        %add3A_468 = arith.constant 0 : i32
        %add3A_469 = arith.addi %mul3A_467, %add3A_468 : i32
        %swap3A = arith.constant 2 : i32
        %swap3A_470 = arith.index_cast %swap3A : i32 to index
        %swap3A_471 = arith.index_cast %add3A_469 : i32 to index
        %swap3A_472 = tpu.vector_load %arg7[%swap3A_470, %swap3A_471] {strides = array<i32>} : memref<4x12800xf32, #tpu.memory_space<vmem>>, vector<1x16xf32>,
        %swap3A_473 = vector.shape_cast %swap3A_472 : vector<1x16xf32> to vector<16xf32>
        %swap3A_474 = vector.shape_cast %mul3A_465 : vector<16xf32> to vector<1x16xf32>
        tpu.vector_store %arg7[%swap3A_470, %swap3A_471], %swap3A_474 {strides = array<i32>} : memref<4x12800xf32, #tpu.memory_space<vmem>>, vector<1x16xf32>,
        %get3A_475 = arith.constant 2 : i32
        %get3A_476 = arith.index_cast %get3A_475 : i32 to index
        %get3A_477 = arith.index_cast %scan3A_457 : i32 to index
        %get3A_478 = arith.constant 16 : index
        %get3A_479 = tpu.vector_load %arg6[%get3A_476, %get3A_477, %get3A_478] {strides = array<i32>} : memref<4x200x64xf32, #tpu.memory_space<vmem>>, vector<1x1x16xf32>,
        %get3A_480 = vector.shape_cast %get3A_479 : vector<1x1x16xf32> to vector<16xf32>
        %mul3A_481 = arith.constant 8.000000e+00 : f32
        %mul3A_482 = vector.broadcast %mul3A_481 : f32 to vector<16xf32>
        %mul3A_483 = arith.mulf %get3A_480, %mul3A_482 : vector<16xf32>
        %mul3A_484 = arith.constant 64 : i32
        %mul3A_485 = arith.muli %scan3A_457, %mul3A_484 : i32
        %add3A_486 = arith.constant 16 : i32
        %add3A_487 = arith.addi %mul3A_485, %add3A_486 : i32
        %swap3A_488 = arith.constant 2 : i32
        %swap3A_489 = arith.index_cast %swap3A_488 : i32 to index
        %swap3A_490 = arith.index_cast %add3A_487 : i32 to index
        %swap3A_491 = tpu.vector_load %arg7[%swap3A_489, %swap3A_490] {strides = array<i32>} : memref<4x12800xf32, #tpu.memory_space<vmem>>, vector<1x16xf32>,
        %swap3A_492 = vector.shape_cast %swap3A_491 : vector<1x16xf32> to vector<16xf32>
        %swap3A_493 = vector.shape_cast %mul3A_483 : vector<16xf32> to vector<1x16xf32>
        tpu.vector_store %arg7[%swap3A_489, %swap3A_490], %swap3A_493 {strides = array<i32>} : memref<4x12800xf32, #tpu.memory_space<vmem>>, vector<1x16xf32>,
        %get3A_494 = arith.constant 2 : i32
        %get3A_495 = arith.index_cast %get3A_494 : i32 to index
        %get3A_496 = arith.index_cast %scan3A_457 : i32 to index
        %get3A_497 = arith.constant 32 : index
        %get3A_498 = tpu.vector_load %arg6[%get3A_495, %get3A_496, %get3A_497] {strides = array<i32>} : memref<4x200x64xf32, #tpu.memory_space<vmem>>, vector<1x1x16xf32>,
        %get3A_499 = vector.shape_cast %get3A_498 : vector<1x1x16xf32> to vector<16xf32>
        %mul3A_500 = arith.constant 8.000000e+00 : f32
        %mul3A_501 = vector.broadcast %mul3A_500 : f32 to vector<16xf32>
        %mul3A_502 = arith.mulf %get3A_499, %mul3A_501 : vector<16xf32>
        %mul3A_503 = arith.constant 64 : i32
        %mul3A_504 = arith.muli %scan3A_457, %mul3A_503 : i32
        %add3A_505 = arith.constant 32 : i32
        %add3A_506 = arith.addi %mul3A_504, %add3A_505 : i32
        %swap3A_507 = arith.constant 2 : i32
        %swap3A_508 = arith.index_cast %swap3A_507 : i32 to index
        %swap3A_509 = arith.index_cast %add3A_506 : i32 to index
        %swap3A_510 = tpu.vector_load %arg7[%swap3A_508, %swap3A_509] {strides = array<i32>} : memref<4x12800xf32, #tpu.memory_space<vmem>>, vector<1x16xf32>,
        %swap3A_511 = vector.shape_cast %swap3A_510 : vector<1x16xf32> to vector<16xf32>
        %swap3A_512 = vector.shape_cast %mul3A_502 : vector<16xf32> to vector<1x16xf32>
        tpu.vector_store %arg7[%swap3A_508, %swap3A_509], %swap3A_512 {strides = array<i32>} : memref<4x12800xf32, #tpu.memory_space<vmem>>, vector<1x16xf32>,
        %get3A_513 = arith.constant 2 : i32
        %get3A_514 = arith.index_cast %get3A_513 : i32 to index
        %get3A_515 = arith.index_cast %scan3A_457 : i32 to index
        %get3A_516 = arith.constant 48 : index
        %get3A_517 = tpu.vector_load %arg6[%get3A_514, %get3A_515, %get3A_516] {strides = array<i32>} : memref<4x200x64xf32, #tpu.memory_space<vmem>>, vector<1x1x16xf32>,
        %get3A_518 = vector.shape_cast %get3A_517 : vector<1x1x16xf32> to vector<16xf32>
        %mul3A_519 = arith.constant 8.000000e+00 : f32
        %mul3A_520 = vector.broadcast %mul3A_519 : f32 to vector<16xf32>
        %mul3A_521 = arith.mulf %get3A_518, %mul3A_520 : vector<16xf32>
        %mul3A_522 = arith.constant 64 : i32
        %mul3A_523 = arith.muli %scan3A_457, %mul3A_522 : i32
        %add3A_524 = arith.constant 48 : i32
        %add3A_525 = arith.addi %mul3A_523, %add3A_524 : i32
        %swap3A_526 = arith.constant 2 : i32
        %swap3A_527 = arith.index_cast %swap3A_526 : i32 to index
        %swap3A_528 = arith.index_cast %add3A_525 : i32 to index
        %swap3A_529 = tpu.vector_load %arg7[%swap3A_527, %swap3A_528] {strides = array<i32>} : memref<4x12800xf32, #tpu.memory_space<vmem>>, vector<1x16xf32>,
        %swap3A_530 = vector.shape_cast %swap3A_529 : vector<1x16xf32> to vector<16xf32>
        %swap3A_531 = vector.shape_cast %mul3A_521 : vector<16xf32> to vector<1x16xf32>
        tpu.vector_store %arg7[%swap3A_527, %swap3A_528], %swap3A_531 {strides = array<i32>} : memref<4x12800xf32, #tpu.memory_space<vmem>>, vector<1x16xf32>,
      }
      %scan3A_367 = arith.constant 200 : i32
      %add3A_368 = arith.constant 4 : i32
      %add3A_369 = arith.addi %add3A_328, %add3A_368 : i32
      %lt3A_370 = arith.constant 128 : i32
      %lt3A_371 = arith.cmpi slt, %add3A_369, %lt3A_370 : i32
      %convert_element_type3A_372 = arith.extui %lt3A_371 : i1 to i32
      %cond3A_373 = arith.constant 0 : i32
      %cond3A_374 = arith.cmpi ne, %convert_element_type3A_372, %cond3A_373 : i32
      scf.if %cond3A_374 {
        %add3A_457 = arith.constant 4 : i32
        %add3A_458 = arith.addi %add3A_328, %add3A_457 : i32
        %dma_start3A_459 = arith.constant 2 : i32
        %dma_start3A_460 = arith.constant 2 : i32
        %dma_start3A_461 = arith.constant 0 : i32
        %dma_start3A_462 = arith.constant 0 : i32
        %dma_start3A_463 = tpu.memref_slice %arg6[%dma_start3A_459, %dma_start3A_461, %dma_start3A_462] : memref<4x200x64xf32, #tpu.memory_space<vmem>> -> memref<1x104x64xf32, #tpu.memory_space<vmem>>
        %dma_start3A_464 = tpu.memref_squeeze %dma_start3A_463 : memref<1x104x64xf32, #tpu.memory_space<vmem>> -> memref<104x64xf32, #tpu.memory_space<vmem>>
        %dma_start3A_465 = arith.constant 0 : i32
        %dma_start3A_466 = tpu.memref_slice %arg5[%add3A_458, %dma_start3A_465] : memref<128x200xi32, #tpu.memory_space<vmem>> -> memref<1x104xi32, #tpu.memory_space<vmem>>
        %dma_start3A_467 = tpu.memref_squeeze %dma_start3A_466 : memref<1x104xi32, #tpu.memory_space<vmem>> -> memref<104xi32, #tpu.memory_space<vmem>>
        %dma_start3A_468 = arith.constant 0 : i32
        %dma_start3A_469 = arith.constant 0 : i32
        %dma_start3A_470 = tpu.memref_slice %arg2[%dma_start3A_468, %dma_start3A_469] : memref<1015808x64xf32, #tpu.memory_space<hbm>> -> memref<1015808x64xf32, #tpu.memory_space<hbm>>
        %dma_start3A_471 = tpu.memref_slice %arg8[%dma_start3A_460] : memref<4x!tpu.dma_semaphore, #tpu.memory_space<semaphore_mem>> -> memref<1x!tpu.dma_semaphore, #tpu.memory_space<semaphore_mem>>
        %dma_start3A_472 = tpu.memref_squeeze %dma_start3A_471 : memref<1x!tpu.dma_semaphore, #tpu.memory_space<semaphore_mem>> -> memref<!tpu.dma_semaphore, #tpu.memory_space<semaphore_mem>>
        tpu.enqueue_indirect_dma source(%dma_start3A_470 : memref<1015808x64xf32, #tpu.memory_space<hbm>>) target(%dma_start3A_464 : memref<104x64xf32, #tpu.memory_space<vmem>>) offsets(%dma_start3A_467 : memref<104xi32, #tpu.memory_space<vmem>>) semaphore(%dma_start3A_472 : memref<!tpu.dma_semaphore, #tpu.memory_space<semaphore_mem>>)
        %dma_start3A_473 = arith.constant 2 : i32
        %dma_start3A_474 = arith.constant 2 : i32
        %dma_start3A_475 = arith.constant 104 : i32
        %dma_start3A_476 = arith.constant 0 : i32
        %dma_start3A_477 = tpu.memref_slice %arg6[%dma_start3A_473, %dma_start3A_475, %dma_start3A_476] : memref<4x200x64xf32, #tpu.memory_space<vmem>> -> memref<1x96x64xf32, #tpu.memory_space<vmem>>
        %dma_start3A_478 = tpu.memref_squeeze %dma_start3A_477 : memref<1x96x64xf32, #tpu.memory_space<vmem>> -> memref<96x64xf32, #tpu.memory_space<vmem>>
        %dma_start3A_479 = arith.constant 104 : i32
        %dma_start3A_480 = tpu.memref_slice %arg5[%add3A_458, %dma_start3A_479] : memref<128x200xi32, #tpu.memory_space<vmem>> -> memref<1x96xi32, #tpu.memory_space<vmem>>
        %dma_start3A_481 = tpu.memref_squeeze %dma_start3A_480 : memref<1x96xi32, #tpu.memory_space<vmem>> -> memref<96xi32, #tpu.memory_space<vmem>>
        %dma_start3A_482 = arith.constant 0 : i32
        %dma_start3A_483 = arith.constant 0 : i32
        %dma_start3A_484 = tpu.memref_slice %arg2[%dma_start3A_482, %dma_start3A_483] : memref<1015808x64xf32, #tpu.memory_space<hbm>> -> memref<1015808x64xf32, #tpu.memory_space<hbm>>
        %dma_start3A_485 = tpu.memref_slice %arg8[%dma_start3A_474] : memref<4x!tpu.dma_semaphore, #tpu.memory_space<semaphore_mem>> -> memref<1x!tpu.dma_semaphore, #tpu.memory_space<semaphore_mem>>
        %dma_start3A_486 = tpu.memref_squeeze %dma_start3A_485 : memref<1x!tpu.dma_semaphore, #tpu.memory_space<semaphore_mem>> -> memref<!tpu.dma_semaphore, #tpu.memory_space<semaphore_mem>>
        tpu.enqueue_indirect_dma source(%dma_start3A_484 : memref<1015808x64xf32, #tpu.memory_space<hbm>>) target(%dma_start3A_478 : memref<96x64xf32, #tpu.memory_space<vmem>>) offsets(%dma_start3A_481 : memref<96xi32, #tpu.memory_space<vmem>>) semaphore(%dma_start3A_486 : memref<!tpu.dma_semaphore, #tpu.memory_space<semaphore_mem>>)
      } else {
      }
      %add3A_375 = arith.addi %mul3A_2, %add3A_328 : i32
      %dma_start3A_376 = arith.constant 2 : i32
      %dma_start3A_377 = arith.constant 2 : i32
      %dma_start3A_378 = arith.constant 0 : i32
      %dma_start3A_379 = tpu.memref_slice %arg7[%dma_start3A_376, %dma_start3A_378] : memref<4x12800xf32, #tpu.memory_space<vmem>> -> memref<1x12800xf32, #tpu.memory_space<vmem>>
      %dma_start3A_380 = tpu.memref_squeeze %dma_start3A_379 : memref<1x12800xf32, #tpu.memory_space<vmem>> -> memref<12800xf32, #tpu.memory_space<vmem>>
      %dma_start3A_381 = arith.constant 0 : i32
      %dma_start3A_382 = tpu.memref_slice %arg4[%add3A_375, %dma_start3A_381] : memref<4096x12800xf32, #tpu.memory_space<hbm>> -> memref<1x12800xf32, #tpu.memory_space<hbm>>
      %dma_start3A_383 = tpu.memref_squeeze %dma_start3A_382 : memref<1x12800xf32, #tpu.memory_space<hbm>> -> memref<12800xf32, #tpu.memory_space<hbm>>
      %dma_start3A_384 = tpu.memref_slice %arg9[%dma_start3A_377] : memref<4x!tpu.dma_semaphore, #tpu.memory_space<semaphore_mem>> -> memref<1x!tpu.dma_semaphore, #tpu.memory_space<semaphore_mem>>
      %dma_start3A_385 = tpu.memref_squeeze %dma_start3A_384 : memref<1x!tpu.dma_semaphore, #tpu.memory_space<semaphore_mem>> -> memref<!tpu.dma_semaphore, #tpu.memory_space<semaphore_mem>>
      %dma_start3A_386 = arith.constant 0 : i32
      %dma_start3A_387 = tpu.memref_slice %arg4[%add3A_375, %dma_start3A_386] : memref<4096x12800xf32, #tpu.memory_space<hbm>> -> memref<1x12800xf32, #tpu.memory_space<hbm>>
      %dma_start3A_388 = tpu.memref_squeeze %dma_start3A_387 : memref<1x12800xf32, #tpu.memory_space<hbm>> -> memref<12800xf32, #tpu.memory_space<hbm>>
      %dma_start3A_389 = arith.constant 0 : i32
      %dma_start3A_390 = tpu.memref_slice %arg7[%dma_start3A_376, %dma_start3A_389] : memref<4x12800xf32, #tpu.memory_space<vmem>> -> memref<1x12800xf32, #tpu.memory_space<vmem>>
      %dma_start3A_391 = tpu.memref_squeeze %dma_start3A_390 : memref<1x12800xf32, #tpu.memory_space<vmem>> -> memref<12800xf32, #tpu.memory_space<vmem>>
      tpu.enqueue_dma source(%dma_start3A_391 : memref<12800xf32, #tpu.memory_space<vmem>>) target(%dma_start3A_388 : memref<12800xf32, #tpu.memory_space<hbm>>) target_semaphore(%dma_start3A_385 : memref<!tpu.dma_semaphore, #tpu.memory_space<semaphore_mem>>)
      %add3A_392 = arith.constant 3 : i32
      %add3A_393 = arith.addi %mul3A_200, %add3A_392 : i32
      %ge3A_394 = arith.constant 4 : i32
      %ge3A_395 = arith.cmpi sge, %add3A_393, %ge3A_394 : i32
      %convert_element_type3A_396 = arith.extui %ge3A_395 : i1 to i32
      %cond3A_397 = arith.constant 0 : i32
      %cond3A_398 = arith.cmpi ne, %convert_element_type3A_396, %cond3A_397 : i32
      scf.if %cond3A_398 {
        %sub3A = arith.constant 4 : i32
        %sub3A_457 = arith.subi %add3A_393, %sub3A : i32
        %add3A_458 = arith.addi %mul3A_2, %sub3A_457 : i32
        %dma_wait3A_459 = arith.constant 3 : i32
        %dma_wait3A_460 = arith.constant 3 : i32
        %dma_wait3A_461 = arith.constant 0 : i32
        %dma_wait3A_462 = tpu.memref_slice %arg7[%dma_wait3A_459, %dma_wait3A_461] : memref<4x12800xf32, #tpu.memory_space<vmem>> -> memref<1x12800xf32, #tpu.memory_space<vmem>>
        %dma_wait3A_463 = tpu.memref_squeeze %dma_wait3A_462 : memref<1x12800xf32, #tpu.memory_space<vmem>> -> memref<12800xf32, #tpu.memory_space<vmem>>
        %dma_wait3A_464 = arith.constant 0 : i32
        %dma_wait3A_465 = tpu.memref_slice %arg4[%add3A_458, %dma_wait3A_464] : memref<4096x12800xf32, #tpu.memory_space<hbm>> -> memref<1x12800xf32, #tpu.memory_space<hbm>>
        %dma_wait3A_466 = tpu.memref_squeeze %dma_wait3A_465 : memref<1x12800xf32, #tpu.memory_space<hbm>> -> memref<12800xf32, #tpu.memory_space<hbm>>
        %dma_wait3A_467 = tpu.memref_slice %arg9[%dma_wait3A_460] : memref<4x!tpu.dma_semaphore, #tpu.memory_space<semaphore_mem>> -> memref<1x!tpu.dma_semaphore, #tpu.memory_space<semaphore_mem>>
        %dma_wait3A_468 = tpu.memref_squeeze %dma_wait3A_467 : memref<1x!tpu.dma_semaphore, #tpu.memory_space<semaphore_mem>> -> memref<!tpu.dma_semaphore, #tpu.memory_space<semaphore_mem>>
        %dma_wait3A_469 = arith.constant 0 : i32
        %dma_wait3A_470 = tpu.memref_slice %arg4[%add3A_458, %dma_wait3A_469] : memref<4096x12800xf32, #tpu.memory_space<hbm>> -> memref<1x12800xf32, #tpu.memory_space<hbm>>
        %dma_wait3A_471 = tpu.memref_squeeze %dma_wait3A_470 : memref<1x12800xf32, #tpu.memory_space<hbm>> -> memref<12800xf32, #tpu.memory_space<hbm>>
        %dma_wait3A_472 = arith.constant 0 : i32
        %dma_wait3A_473 = tpu.memref_slice %arg7[%dma_wait3A_459, %dma_wait3A_472] : memref<4x12800xf32, #tpu.memory_space<vmem>> -> memref<1x12800xf32, #tpu.memory_space<vmem>>
        %dma_wait3A_474 = tpu.memref_squeeze %dma_wait3A_473 : memref<1x12800xf32, #tpu.memory_space<vmem>> -> memref<12800xf32, #tpu.memory_space<vmem>>
        tpu.wait_dma2 semaphore(%dma_wait3A_468 : memref<!tpu.dma_semaphore, #tpu.memory_space<semaphore_mem>>) src(%dma_wait3A_474 : memref<12800xf32, #tpu.memory_space<vmem>>) dst(%dma_wait3A_471 : memref<12800xf32, #tpu.memory_space<hbm>>)
      } else {
      }
      %dma_wait3A_399 = arith.constant 3 : i32
      %dma_wait3A_400 = arith.constant 3 : i32
      %dma_wait3A_401 = arith.constant 0 : i32
      %dma_wait3A_402 = arith.constant 0 : i32
      %dma_wait3A_403 = tpu.memref_slice %arg6[%dma_wait3A_399, %dma_wait3A_401, %dma_wait3A_402] : memref<4x200x64xf32, #tpu.memory_space<vmem>> -> memref<1x104x64xf32, #tpu.memory_space<vmem>>
      %dma_wait3A_404 = tpu.memref_squeeze %dma_wait3A_403 : memref<1x104x64xf32, #tpu.memory_space<vmem>> -> memref<104x64xf32, #tpu.memory_space<vmem>>
      %dma_wait3A_405 = arith.constant 0 : i32
      %dma_wait3A_406 = tpu.memref_slice %arg5[%add3A_393, %dma_wait3A_405] : memref<128x200xi32, #tpu.memory_space<vmem>> -> memref<1x104xi32, #tpu.memory_space<vmem>>
      %dma_wait3A_407 = tpu.memref_squeeze %dma_wait3A_406 : memref<1x104xi32, #tpu.memory_space<vmem>> -> memref<104xi32, #tpu.memory_space<vmem>>
      %dma_wait3A_408 = arith.constant 0 : i32
      %dma_wait3A_409 = arith.constant 0 : i32
      %dma_wait3A_410 = tpu.memref_slice %arg2[%dma_wait3A_408, %dma_wait3A_409] : memref<1015808x64xf32, #tpu.memory_space<hbm>> -> memref<1015808x64xf32, #tpu.memory_space<hbm>>
      %dma_wait3A_411 = tpu.memref_slice %arg8[%dma_wait3A_400] : memref<4x!tpu.dma_semaphore, #tpu.memory_space<semaphore_mem>> -> memref<1x!tpu.dma_semaphore, #tpu.memory_space<semaphore_mem>>
      %dma_wait3A_412 = tpu.memref_squeeze %dma_wait3A_411 : memref<1x!tpu.dma_semaphore, #tpu.memory_space<semaphore_mem>> -> memref<!tpu.dma_semaphore, #tpu.memory_space<semaphore_mem>>
      tpu.wait_indirect_dma semaphore(%dma_wait3A_412 : memref<!tpu.dma_semaphore, #tpu.memory_space<semaphore_mem>>) src(%dma_wait3A_410 : memref<1015808x64xf32, #tpu.memory_space<hbm>>) dst(%dma_wait3A_404 : memref<104x64xf32, #tpu.memory_space<vmem>>)
      %dma_wait3A_413 = arith.constant 3 : i32
      %dma_wait3A_414 = arith.constant 3 : i32
      %dma_wait3A_415 = arith.constant 104 : i32
      %dma_wait3A_416 = arith.constant 0 : i32
      %dma_wait3A_417 = tpu.memref_slice %arg6[%dma_wait3A_413, %dma_wait3A_415, %dma_wait3A_416] : memref<4x200x64xf32, #tpu.memory_space<vmem>> -> memref<1x96x64xf32, #tpu.memory_space<vmem>>
      %dma_wait3A_418 = tpu.memref_squeeze %dma_wait3A_417 : memref<1x96x64xf32, #tpu.memory_space<vmem>> -> memref<96x64xf32, #tpu.memory_space<vmem>>
      %dma_wait3A_419 = arith.constant 104 : i32
      %dma_wait3A_420 = tpu.memref_slice %arg5[%add3A_393, %dma_wait3A_419] : memref<128x200xi32, #tpu.memory_space<vmem>> -> memref<1x96xi32, #tpu.memory_space<vmem>>
      %dma_wait3A_421 = tpu.memref_squeeze %dma_wait3A_420 : memref<1x96xi32, #tpu.memory_space<vmem>> -> memref<96xi32, #tpu.memory_space<vmem>>
      %dma_wait3A_422 = arith.constant 0 : i32
      %dma_wait3A_423 = arith.constant 0 : i32
      %dma_wait3A_424 = tpu.memref_slice %arg2[%dma_wait3A_422, %dma_wait3A_423] : memref<1015808x64xf32, #tpu.memory_space<hbm>> -> memref<1015808x64xf32, #tpu.memory_space<hbm>>
      %dma_wait3A_425 = tpu.memref_slice %arg8[%dma_wait3A_414] : memref<4x!tpu.dma_semaphore, #tpu.memory_space<semaphore_mem>> -> memref<1x!tpu.dma_semaphore, #tpu.memory_space<semaphore_mem>>
      %dma_wait3A_426 = tpu.memref_squeeze %dma_wait3A_425 : memref<1x!tpu.dma_semaphore, #tpu.memory_space<semaphore_mem>> -> memref<!tpu.dma_semaphore, #tpu.memory_space<semaphore_mem>>
      tpu.wait_indirect_dma semaphore(%dma_wait3A_426 : memref<!tpu.dma_semaphore, #tpu.memory_space<semaphore_mem>>) src(%dma_wait3A_424 : memref<1015808x64xf32, #tpu.memory_space<hbm>>) dst(%dma_wait3A_418 : memref<96x64xf32, #tpu.memory_space<vmem>>)
      %scan3A_427 = arith.constant 0 : i32
      %scan3A_428 = arith.constant 0 : i32
      %scan3A_429 = arith.constant 200 : i32
      %scan3A_430 = arith.addi %scan3A_428, %scan3A_429 : i32
      %scan3A_431 = arith.constant 1 : i32
      scf.for %scan3A_457 = %scan3A_428 to %scan3A_430 step %scan3A_431  : i32 {
        %get3A = arith.constant 3 : i32
        %get3A_458 = arith.index_cast %get3A : i32 to index
        %get3A_459 = arith.index_cast %scan3A_457 : i32 to index
        %get3A_460 = arith.constant 0 : index
        %get3A_461 = tpu.vector_load %arg6[%get3A_458, %get3A_459, %get3A_460] {strides = array<i32>} : memref<4x200x64xf32, #tpu.memory_space<vmem>>, vector<1x1x16xf32>,
        %get3A_462 = vector.shape_cast %get3A_461 : vector<1x1x16xf32> to vector<16xf32>
        %mul3A_463 = arith.constant 8.000000e+00 : f32
        %mul3A_464 = vector.broadcast %mul3A_463 : f32 to vector<16xf32>
        %mul3A_465 = arith.mulf %get3A_462, %mul3A_464 : vector<16xf32>
        %mul3A_466 = arith.constant 64 : i32
        %mul3A_467 = arith.muli %scan3A_457, %mul3A_466 : i32
        %add3A_468 = arith.constant 0 : i32
        %add3A_469 = arith.addi %mul3A_467, %add3A_468 : i32
        %swap3A = arith.constant 3 : i32
        %swap3A_470 = arith.index_cast %swap3A : i32 to index
        %swap3A_471 = arith.index_cast %add3A_469 : i32 to index
        %swap3A_472 = tpu.vector_load %arg7[%swap3A_470, %swap3A_471] {strides = array<i32>} : memref<4x12800xf32, #tpu.memory_space<vmem>>, vector<1x16xf32>,
        %swap3A_473 = vector.shape_cast %swap3A_472 : vector<1x16xf32> to vector<16xf32>
        %swap3A_474 = vector.shape_cast %mul3A_465 : vector<16xf32> to vector<1x16xf32>
        tpu.vector_store %arg7[%swap3A_470, %swap3A_471], %swap3A_474 {strides = array<i32>} : memref<4x12800xf32, #tpu.memory_space<vmem>>, vector<1x16xf32>,
        %get3A_475 = arith.constant 3 : i32
        %get3A_476 = arith.index_cast %get3A_475 : i32 to index
        %get3A_477 = arith.index_cast %scan3A_457 : i32 to index
        %get3A_478 = arith.constant 16 : index
        %get3A_479 = tpu.vector_load %arg6[%get3A_476, %get3A_477, %get3A_478] {strides = array<i32>} : memref<4x200x64xf32, #tpu.memory_space<vmem>>, vector<1x1x16xf32>,
        %get3A_480 = vector.shape_cast %get3A_479 : vector<1x1x16xf32> to vector<16xf32>
        %mul3A_481 = arith.constant 8.000000e+00 : f32
        %mul3A_482 = vector.broadcast %mul3A_481 : f32 to vector<16xf32>
        %mul3A_483 = arith.mulf %get3A_480, %mul3A_482 : vector<16xf32>
        %mul3A_484 = arith.constant 64 : i32
        %mul3A_485 = arith.muli %scan3A_457, %mul3A_484 : i32
        %add3A_486 = arith.constant 16 : i32
        %add3A_487 = arith.addi %mul3A_485, %add3A_486 : i32
        %swap3A_488 = arith.constant 3 : i32
        %swap3A_489 = arith.index_cast %swap3A_488 : i32 to index
        %swap3A_490 = arith.index_cast %add3A_487 : i32 to index
        %swap3A_491 = tpu.vector_load %arg7[%swap3A_489, %swap3A_490] {strides = array<i32>} : memref<4x12800xf32, #tpu.memory_space<vmem>>, vector<1x16xf32>,
        %swap3A_492 = vector.shape_cast %swap3A_491 : vector<1x16xf32> to vector<16xf32>
        %swap3A_493 = vector.shape_cast %mul3A_483 : vector<16xf32> to vector<1x16xf32>
        tpu.vector_store %arg7[%swap3A_489, %swap3A_490], %swap3A_493 {strides = array<i32>} : memref<4x12800xf32, #tpu.memory_space<vmem>>, vector<1x16xf32>,
        %get3A_494 = arith.constant 3 : i32
        %get3A_495 = arith.index_cast %get3A_494 : i32 to index
        %get3A_496 = arith.index_cast %scan3A_457 : i32 to index
        %get3A_497 = arith.constant 32 : index
        %get3A_498 = tpu.vector_load %arg6[%get3A_495, %get3A_496, %get3A_497] {strides = array<i32>} : memref<4x200x64xf32, #tpu.memory_space<vmem>>, vector<1x1x16xf32>,
        %get3A_499 = vector.shape_cast %get3A_498 : vector<1x1x16xf32> to vector<16xf32>
        %mul3A_500 = arith.constant 8.000000e+00 : f32
        %mul3A_501 = vector.broadcast %mul3A_500 : f32 to vector<16xf32>
        %mul3A_502 = arith.mulf %get3A_499, %mul3A_501 : vector<16xf32>
        %mul3A_503 = arith.constant 64 : i32
        %mul3A_504 = arith.muli %scan3A_457, %mul3A_503 : i32
        %add3A_505 = arith.constant 32 : i32
        %add3A_506 = arith.addi %mul3A_504, %add3A_505 : i32
        %swap3A_507 = arith.constant 3 : i32
        %swap3A_508 = arith.index_cast %swap3A_507 : i32 to index
        %swap3A_509 = arith.index_cast %add3A_506 : i32 to index
        %swap3A_510 = tpu.vector_load %arg7[%swap3A_508, %swap3A_509] {strides = array<i32>} : memref<4x12800xf32, #tpu.memory_space<vmem>>, vector<1x16xf32>,
        %swap3A_511 = vector.shape_cast %swap3A_510 : vector<1x16xf32> to vector<16xf32>
        %swap3A_512 = vector.shape_cast %mul3A_502 : vector<16xf32> to vector<1x16xf32>
        tpu.vector_store %arg7[%swap3A_508, %swap3A_509], %swap3A_512 {strides = array<i32>} : memref<4x12800xf32, #tpu.memory_space<vmem>>, vector<1x16xf32>,
        %get3A_513 = arith.constant 3 : i32
        %get3A_514 = arith.index_cast %get3A_513 : i32 to index
        %get3A_515 = arith.index_cast %scan3A_457 : i32 to index
        %get3A_516 = arith.constant 48 : index
        %get3A_517 = tpu.vector_load %arg6[%get3A_514, %get3A_515, %get3A_516] {strides = array<i32>} : memref<4x200x64xf32, #tpu.memory_space<vmem>>, vector<1x1x16xf32>,
        %get3A_518 = vector.shape_cast %get3A_517 : vector<1x1x16xf32> to vector<16xf32>
        %mul3A_519 = arith.constant 8.000000e+00 : f32
        %mul3A_520 = vector.broadcast %mul3A_519 : f32 to vector<16xf32>
        %mul3A_521 = arith.mulf %get3A_518, %mul3A_520 : vector<16xf32>
        %mul3A_522 = arith.constant 64 : i32
        %mul3A_523 = arith.muli %scan3A_457, %mul3A_522 : i32
        %add3A_524 = arith.constant 48 : i32
        %add3A_525 = arith.addi %mul3A_523, %add3A_524 : i32
        %swap3A_526 = arith.constant 3 : i32
        %swap3A_527 = arith.index_cast %swap3A_526 : i32 to index
        %swap3A_528 = arith.index_cast %add3A_525 : i32 to index
        %swap3A_529 = tpu.vector_load %arg7[%swap3A_527, %swap3A_528] {strides = array<i32>} : memref<4x12800xf32, #tpu.memory_space<vmem>>, vector<1x16xf32>,
        %swap3A_530 = vector.shape_cast %swap3A_529 : vector<1x16xf32> to vector<16xf32>
        %swap3A_531 = vector.shape_cast %mul3A_521 : vector<16xf32> to vector<1x16xf32>
        tpu.vector_store %arg7[%swap3A_527, %swap3A_528], %swap3A_531 {strides = array<i32>} : memref<4x12800xf32, #tpu.memory_space<vmem>>, vector<1x16xf32>,
      }
      %scan3A_432 = arith.constant 200 : i32
      %add3A_433 = arith.constant 4 : i32
      %add3A_434 = arith.addi %add3A_393, %add3A_433 : i32
      %lt3A_435 = arith.constant 128 : i32
      %lt3A_436 = arith.cmpi slt, %add3A_434, %lt3A_435 : i32
      %convert_element_type3A_437 = arith.extui %lt3A_436 : i1 to i32
      %cond3A_438 = arith.constant 0 : i32
      %cond3A_439 = arith.cmpi ne, %convert_element_type3A_437, %cond3A_438 : i32
      scf.if %cond3A_439 {
        %add3A_457 = arith.constant 4 : i32
        %add3A_458 = arith.addi %add3A_393, %add3A_457 : i32
        %dma_start3A_459 = arith.constant 3 : i32
        %dma_start3A_460 = arith.constant 3 : i32
        %dma_start3A_461 = arith.constant 0 : i32
        %dma_start3A_462 = arith.constant 0 : i32
        %dma_start3A_463 = tpu.memref_slice %arg6[%dma_start3A_459, %dma_start3A_461, %dma_start3A_462] : memref<4x200x64xf32, #tpu.memory_space<vmem>> -> memref<1x104x64xf32, #tpu.memory_space<vmem>>
        %dma_start3A_464 = tpu.memref_squeeze %dma_start3A_463 : memref<1x104x64xf32, #tpu.memory_space<vmem>> -> memref<104x64xf32, #tpu.memory_space<vmem>>
        %dma_start3A_465 = arith.constant 0 : i32
        %dma_start3A_466 = tpu.memref_slice %arg5[%add3A_458, %dma_start3A_465] : memref<128x200xi32, #tpu.memory_space<vmem>> -> memref<1x104xi32, #tpu.memory_space<vmem>>
        %dma_start3A_467 = tpu.memref_squeeze %dma_start3A_466 : memref<1x104xi32, #tpu.memory_space<vmem>> -> memref<104xi32, #tpu.memory_space<vmem>>
        %dma_start3A_468 = arith.constant 0 : i32
        %dma_start3A_469 = arith.constant 0 : i32
        %dma_start3A_470 = tpu.memref_slice %arg2[%dma_start3A_468, %dma_start3A_469] : memref<1015808x64xf32, #tpu.memory_space<hbm>> -> memref<1015808x64xf32, #tpu.memory_space<hbm>>
        %dma_start3A_471 = tpu.memref_slice %arg8[%dma_start3A_460] : memref<4x!tpu.dma_semaphore, #tpu.memory_space<semaphore_mem>> -> memref<1x!tpu.dma_semaphore, #tpu.memory_space<semaphore_mem>>
        %dma_start3A_472 = tpu.memref_squeeze %dma_start3A_471 : memref<1x!tpu.dma_semaphore, #tpu.memory_space<semaphore_mem>> -> memref<!tpu.dma_semaphore, #tpu.memory_space<semaphore_mem>>
        tpu.enqueue_indirect_dma source(%dma_start3A_470 : memref<1015808x64xf32, #tpu.memory_space<hbm>>) target(%dma_start3A_464 : memref<104x64xf32, #tpu.memory_space<vmem>>) offsets(%dma_start3A_467 : memref<104xi32, #tpu.memory_space<vmem>>) semaphore(%dma_start3A_472 : memref<!tpu.dma_semaphore, #tpu.memory_space<semaphore_mem>>)
        %dma_start3A_473 = arith.constant 3 : i32
        %dma_start3A_474 = arith.constant 3 : i32
        %dma_start3A_475 = arith.constant 104 : i32
        %dma_start3A_476 = arith.constant 0 : i32
        %dma_start3A_477 = tpu.memref_slice %arg6[%dma_start3A_473, %dma_start3A_475, %dma_start3A_476] : memref<4x200x64xf32, #tpu.memory_space<vmem>> -> memref<1x96x64xf32, #tpu.memory_space<vmem>>
        %dma_start3A_478 = tpu.memref_squeeze %dma_start3A_477 : memref<1x96x64xf32, #tpu.memory_space<vmem>> -> memref<96x64xf32, #tpu.memory_space<vmem>>
        %dma_start3A_479 = arith.constant 104 : i32
        %dma_start3A_480 = tpu.memref_slice %arg5[%add3A_458, %dma_start3A_479] : memref<128x200xi32, #tpu.memory_space<vmem>> -> memref<1x96xi32, #tpu.memory_space<vmem>>
        %dma_start3A_481 = tpu.memref_squeeze %dma_start3A_480 : memref<1x96xi32, #tpu.memory_space<vmem>> -> memref<96xi32, #tpu.memory_space<vmem>>
        %dma_start3A_482 = arith.constant 0 : i32
        %dma_start3A_483 = arith.constant 0 : i32
        %dma_start3A_484 = tpu.memref_slice %arg2[%dma_start3A_482, %dma_start3A_483] : memref<1015808x64xf32, #tpu.memory_space<hbm>> -> memref<1015808x64xf32, #tpu.memory_space<hbm>>
        %dma_start3A_485 = tpu.memref_slice %arg8[%dma_start3A_474] : memref<4x!tpu.dma_semaphore, #tpu.memory_space<semaphore_mem>> -> memref<1x!tpu.dma_semaphore, #tpu.memory_space<semaphore_mem>>
        %dma_start3A_486 = tpu.memref_squeeze %dma_start3A_485 : memref<1x!tpu.dma_semaphore, #tpu.memory_space<semaphore_mem>> -> memref<!tpu.dma_semaphore, #tpu.memory_space<semaphore_mem>>
        tpu.enqueue_indirect_dma source(%dma_start3A_484 : memref<1015808x64xf32, #tpu.memory_space<hbm>>) target(%dma_start3A_478 : memref<96x64xf32, #tpu.memory_space<vmem>>) offsets(%dma_start3A_481 : memref<96xi32, #tpu.memory_space<vmem>>) semaphore(%dma_start3A_486 : memref<!tpu.dma_semaphore, #tpu.memory_space<semaphore_mem>>)
      } else {
      }
      %add3A_440 = arith.addi %mul3A_2, %add3A_393 : i32
      %dma_start3A_441 = arith.constant 3 : i32
      %dma_start3A_442 = arith.constant 3 : i32
      %dma_start3A_443 = arith.constant 0 : i32
      %dma_start3A_444 = tpu.memref_slice %arg7[%dma_start3A_441, %dma_start3A_443] : memref<4x12800xf32, #tpu.memory_space<vmem>> -> memref<1x12800xf32, #tpu.memory_space<vmem>>
      %dma_start3A_445 = tpu.memref_squeeze %dma_start3A_444 : memref<1x12800xf32, #tpu.memory_space<vmem>> -> memref<12800xf32, #tpu.memory_space<vmem>>
      %dma_start3A_446 = arith.constant 0 : i32
      %dma_start3A_447 = tpu.memref_slice %arg4[%add3A_440, %dma_start3A_446] : memref<4096x12800xf32, #tpu.memory_space<hbm>> -> memref<1x12800xf32, #tpu.memory_space<hbm>>
      %dma_start3A_448 = tpu.memref_squeeze %dma_start3A_447 : memref<1x12800xf32, #tpu.memory_space<hbm>> -> memref<12800xf32, #tpu.memory_space<hbm>>
      %dma_start3A_449 = tpu.memref_slice %arg9[%dma_start3A_442] : memref<4x!tpu.dma_semaphore, #tpu.memory_space<semaphore_mem>> -> memref<1x!tpu.dma_semaphore, #tpu.memory_space<semaphore_mem>>
      %dma_start3A_450 = tpu.memref_squeeze %dma_start3A_449 : memref<1x!tpu.dma_semaphore, #tpu.memory_space<semaphore_mem>> -> memref<!tpu.dma_semaphore, #tpu.memory_space<semaphore_mem>>
      %dma_start3A_451 = arith.constant 0 : i32
      %dma_start3A_452 = tpu.memref_slice %arg4[%add3A_440, %dma_start3A_451] : memref<4096x12800xf32, #tpu.memory_space<hbm>> -> memref<1x12800xf32, #tpu.memory_space<hbm>>
      %dma_start3A_453 = tpu.memref_squeeze %dma_start3A_452 : memref<1x12800xf32, #tpu.memory_space<hbm>> -> memref<12800xf32, #tpu.memory_space<hbm>>
      %dma_start3A_454 = arith.constant 0 : i32
      %dma_start3A_455 = tpu.memref_slice %arg7[%dma_start3A_441, %dma_start3A_454] : memref<4x12800xf32, #tpu.memory_space<vmem>> -> memref<1x12800xf32, #tpu.memory_space<vmem>>
      %dma_start3A_456 = tpu.memref_squeeze %dma_start3A_455 : memref<1x12800xf32, #tpu.memory_space<vmem>> -> memref<12800xf32, #tpu.memory_space<vmem>>
      tpu.enqueue_dma source(%dma_start3A_456 : memref<12800xf32, #tpu.memory_space<vmem>>) target(%dma_start3A_453 : memref<12800xf32, #tpu.memory_space<hbm>>) target_semaphore(%dma_start3A_450 : memref<!tpu.dma_semaphore, #tpu.memory_space<semaphore_mem>>)
    }
    %scan3A_126 = arith.constant 32 : i32
    %add3A_127 = arith.constant 124 : i32
    %add3A_128 = arith.addi %mul3A_2, %add3A_127 : i32
    %dma_wait3A = arith.constant 0 : i32
    %dma_wait3A_129 = arith.constant 0 : i32
    %dma_wait3A_130 = arith.constant 0 : i32
    %dma_wait3A_131 = tpu.memref_slice %arg7[%dma_wait3A, %dma_wait3A_130] : memref<4x12800xf32, #tpu.memory_space<vmem>> -> memref<1x12800xf32, #tpu.memory_space<vmem>>
    %dma_wait3A_132 = tpu.memref_squeeze %dma_wait3A_131 : memref<1x12800xf32, #tpu.memory_space<vmem>> -> memref<12800xf32, #tpu.memory_space<vmem>>
    %dma_wait3A_133 = arith.constant 0 : i32
    %dma_wait3A_134 = tpu.memref_slice %arg4[%add3A_128, %dma_wait3A_133] : memref<4096x12800xf32, #tpu.memory_space<hbm>> -> memref<1x12800xf32, #tpu.memory_space<hbm>>
    %dma_wait3A_135 = tpu.memref_squeeze %dma_wait3A_134 : memref<1x12800xf32, #tpu.memory_space<hbm>> -> memref<12800xf32, #tpu.memory_space<hbm>>
    %dma_wait3A_136 = tpu.memref_slice %arg9[%dma_wait3A_129] : memref<4x!tpu.dma_semaphore, #tpu.memory_space<semaphore_mem>> -> memref<1x!tpu.dma_semaphore, #tpu.memory_space<semaphore_mem>>
    %dma_wait3A_137 = tpu.memref_squeeze %dma_wait3A_136 : memref<1x!tpu.dma_semaphore, #tpu.memory_space<semaphore_mem>> -> memref<!tpu.dma_semaphore, #tpu.memory_space<semaphore_mem>>
    %dma_wait3A_138 = arith.constant 0 : i32
    %dma_wait3A_139 = tpu.memref_slice %arg4[%add3A_128, %dma_wait3A_138] : memref<4096x12800xf32, #tpu.memory_space<hbm>> -> memref<1x12800xf32, #tpu.memory_space<hbm>>
    %dma_wait3A_140 = tpu.memref_squeeze %dma_wait3A_139 : memref<1x12800xf32, #tpu.memory_space<hbm>> -> memref<12800xf32, #tpu.memory_space<hbm>>
    %dma_wait3A_141 = arith.constant 0 : i32
    %dma_wait3A_142 = tpu.memref_slice %arg7[%dma_wait3A, %dma_wait3A_141] : memref<4x12800xf32, #tpu.memory_space<vmem>> -> memref<1x12800xf32, #tpu.memory_space<vmem>>
    %dma_wait3A_143 = tpu.memref_squeeze %dma_wait3A_142 : memref<1x12800xf32, #tpu.memory_space<vmem>> -> memref<12800xf32, #tpu.memory_space<vmem>>
    tpu.wait_dma2 semaphore(%dma_wait3A_137 : memref<!tpu.dma_semaphore, #tpu.memory_space<semaphore_mem>>) src(%dma_wait3A_143 : memref<12800xf32, #tpu.memory_space<vmem>>) dst(%dma_wait3A_140 : memref<12800xf32, #tpu.memory_space<hbm>>)
    %add3A_144 = arith.constant 125 : i32
    %add3A_145 = arith.addi %mul3A_2, %add3A_144 : i32
    %dma_wait3A_146 = arith.constant 1 : i32
    %dma_wait3A_147 = arith.constant 1 : i32
    %dma_wait3A_148 = arith.constant 0 : i32
    %dma_wait3A_149 = tpu.memref_slice %arg7[%dma_wait3A_146, %dma_wait3A_148] : memref<4x12800xf32, #tpu.memory_space<vmem>> -> memref<1x12800xf32, #tpu.memory_space<vmem>>
    %dma_wait3A_150 = tpu.memref_squeeze %dma_wait3A_149 : memref<1x12800xf32, #tpu.memory_space<vmem>> -> memref<12800xf32, #tpu.memory_space<vmem>>
    %dma_wait3A_151 = arith.constant 0 : i32
    %dma_wait3A_152 = tpu.memref_slice %arg4[%add3A_145, %dma_wait3A_151] : memref<4096x12800xf32, #tpu.memory_space<hbm>> -> memref<1x12800xf32, #tpu.memory_space<hbm>>
    %dma_wait3A_153 = tpu.memref_squeeze %dma_wait3A_152 : memref<1x12800xf32, #tpu.memory_space<hbm>> -> memref<12800xf32, #tpu.memory_space<hbm>>
    %dma_wait3A_154 = tpu.memref_slice %arg9[%dma_wait3A_147] : memref<4x!tpu.dma_semaphore, #tpu.memory_space<semaphore_mem>> -> memref<1x!tpu.dma_semaphore, #tpu.memory_space<semaphore_mem>>
    %dma_wait3A_155 = tpu.memref_squeeze %dma_wait3A_154 : memref<1x!tpu.dma_semaphore, #tpu.memory_space<semaphore_mem>> -> memref<!tpu.dma_semaphore, #tpu.memory_space<semaphore_mem>>
    %dma_wait3A_156 = arith.constant 0 : i32
    %dma_wait3A_157 = tpu.memref_slice %arg4[%add3A_145, %dma_wait3A_156] : memref<4096x12800xf32, #tpu.memory_space<hbm>> -> memref<1x12800xf32, #tpu.memory_space<hbm>>
    %dma_wait3A_158 = tpu.memref_squeeze %dma_wait3A_157 : memref<1x12800xf32, #tpu.memory_space<hbm>> -> memref<12800xf32, #tpu.memory_space<hbm>>
    %dma_wait3A_159 = arith.constant 0 : i32
    %dma_wait3A_160 = tpu.memref_slice %arg7[%dma_wait3A_146, %dma_wait3A_159] : memref<4x12800xf32, #tpu.memory_space<vmem>> -> memref<1x12800xf32, #tpu.memory_space<vmem>>
    %dma_wait3A_161 = tpu.memref_squeeze %dma_wait3A_160 : memref<1x12800xf32, #tpu.memory_space<vmem>> -> memref<12800xf32, #tpu.memory_space<vmem>>
    tpu.wait_dma2 semaphore(%dma_wait3A_155 : memref<!tpu.dma_semaphore, #tpu.memory_space<semaphore_mem>>) src(%dma_wait3A_161 : memref<12800xf32, #tpu.memory_space<vmem>>) dst(%dma_wait3A_158 : memref<12800xf32, #tpu.memory_space<hbm>>)
    %add3A_162 = arith.constant 126 : i32
    %add3A_163 = arith.addi %mul3A_2, %add3A_162 : i32
    %dma_wait3A_164 = arith.constant 2 : i32
    %dma_wait3A_165 = arith.constant 2 : i32
    %dma_wait3A_166 = arith.constant 0 : i32
    %dma_wait3A_167 = tpu.memref_slice %arg7[%dma_wait3A_164, %dma_wait3A_166] : memref<4x12800xf32, #tpu.memory_space<vmem>> -> memref<1x12800xf32, #tpu.memory_space<vmem>>
    %dma_wait3A_168 = tpu.memref_squeeze %dma_wait3A_167 : memref<1x12800xf32, #tpu.memory_space<vmem>> -> memref<12800xf32, #tpu.memory_space<vmem>>
    %dma_wait3A_169 = arith.constant 0 : i32
    %dma_wait3A_170 = tpu.memref_slice %arg4[%add3A_163, %dma_wait3A_169] : memref<4096x12800xf32, #tpu.memory_space<hbm>> -> memref<1x12800xf32, #tpu.memory_space<hbm>>
    %dma_wait3A_171 = tpu.memref_squeeze %dma_wait3A_170 : memref<1x12800xf32, #tpu.memory_space<hbm>> -> memref<12800xf32, #tpu.memory_space<hbm>>
    %dma_wait3A_172 = tpu.memref_slice %arg9[%dma_wait3A_165] : memref<4x!tpu.dma_semaphore, #tpu.memory_space<semaphore_mem>> -> memref<1x!tpu.dma_semaphore, #tpu.memory_space<semaphore_mem>>
    %dma_wait3A_173 = tpu.memref_squeeze %dma_wait3A_172 : memref<1x!tpu.dma_semaphore, #tpu.memory_space<semaphore_mem>> -> memref<!tpu.dma_semaphore, #tpu.memory_space<semaphore_mem>>
    %dma_wait3A_174 = arith.constant 0 : i32
    %dma_wait3A_175 = tpu.memref_slice %arg4[%add3A_163, %dma_wait3A_174] : memref<4096x12800xf32, #tpu.memory_space<hbm>> -> memref<1x12800xf32, #tpu.memory_space<hbm>>
    %dma_wait3A_176 = tpu.memref_squeeze %dma_wait3A_175 : memref<1x12800xf32, #tpu.memory_space<hbm>> -> memref<12800xf32, #tpu.memory_space<hbm>>
    %dma_wait3A_177 = arith.constant 0 : i32
    %dma_wait3A_178 = tpu.memref_slice %arg7[%dma_wait3A_164, %dma_wait3A_177] : memref<4x12800xf32, #tpu.memory_space<vmem>> -> memref<1x12800xf32, #tpu.memory_space<vmem>>
    %dma_wait3A_179 = tpu.memref_squeeze %dma_wait3A_178 : memref<1x12800xf32, #tpu.memory_space<vmem>> -> memref<12800xf32, #tpu.memory_space<vmem>>
    tpu.wait_dma2 semaphore(%dma_wait3A_173 : memref<!tpu.dma_semaphore, #tpu.memory_space<semaphore_mem>>) src(%dma_wait3A_179 : memref<12800xf32, #tpu.memory_space<vmem>>) dst(%dma_wait3A_176 : memref<12800xf32, #tpu.memory_space<hbm>>)
    %add3A_180 = arith.constant 127 : i32
    %add3A_181 = arith.addi %mul3A_2, %add3A_180 : i32
    %dma_wait3A_182 = arith.constant 3 : i32
    %dma_wait3A_183 = arith.constant 3 : i32
    %dma_wait3A_184 = arith.constant 0 : i32
    %dma_wait3A_185 = tpu.memref_slice %arg7[%dma_wait3A_182, %dma_wait3A_184] : memref<4x12800xf32, #tpu.memory_space<vmem>> -> memref<1x12800xf32, #tpu.memory_space<vmem>>
    %dma_wait3A_186 = tpu.memref_squeeze %dma_wait3A_185 : memref<1x12800xf32, #tpu.memory_space<vmem>> -> memref<12800xf32, #tpu.memory_space<vmem>>
    %dma_wait3A_187 = arith.constant 0 : i32
    %dma_wait3A_188 = tpu.memref_slice %arg4[%add3A_181, %dma_wait3A_187] : memref<4096x12800xf32, #tpu.memory_space<hbm>> -> memref<1x12800xf32, #tpu.memory_space<hbm>>
    %dma_wait3A_189 = tpu.memref_squeeze %dma_wait3A_188 : memref<1x12800xf32, #tpu.memory_space<hbm>> -> memref<12800xf32, #tpu.memory_space<hbm>>
    %dma_wait3A_190 = tpu.memref_slice %arg9[%dma_wait3A_183] : memref<4x!tpu.dma_semaphore, #tpu.memory_space<semaphore_mem>> -> memref<1x!tpu.dma_semaphore, #tpu.memory_space<semaphore_mem>>
    %dma_wait3A_191 = tpu.memref_squeeze %dma_wait3A_190 : memref<1x!tpu.dma_semaphore, #tpu.memory_space<semaphore_mem>> -> memref<!tpu.dma_semaphore, #tpu.memory_space<semaphore_mem>>
    %dma_wait3A_192 = arith.constant 0 : i32
    %dma_wait3A_193 = tpu.memref_slice %arg4[%add3A_181, %dma_wait3A_192] : memref<4096x12800xf32, #tpu.memory_space<hbm>> -> memref<1x12800xf32, #tpu.memory_space<hbm>>
    %dma_wait3A_194 = tpu.memref_squeeze %dma_wait3A_193 : memref<1x12800xf32, #tpu.memory_space<hbm>> -> memref<12800xf32, #tpu.memory_space<hbm>>
    %dma_wait3A_195 = arith.constant 0 : i32
    %dma_wait3A_196 = tpu.memref_slice %arg7[%dma_wait3A_182, %dma_wait3A_195] : memref<4x12800xf32, #tpu.memory_space<vmem>> -> memref<1x12800xf32, #tpu.memory_space<vmem>>
    %dma_wait3A_197 = tpu.memref_squeeze %dma_wait3A_196 : memref<1x12800xf32, #tpu.memory_space<vmem>> -> memref<12800xf32, #tpu.memory_space<vmem>>
    tpu.wait_dma2 semaphore(%dma_wait3A_191 : memref<!tpu.dma_semaphore, #tpu.memory_space<semaphore_mem>>) src(%dma_wait3A_197 : memref<12800xf32, #tpu.memory_space<vmem>>) dst(%dma_wait3A_194 : memref<12800xf32, #tpu.memory_space<hbm>>)
    return
  }
}

module attributes {stable_mosaic.version = 14 : i64} {
  func.func @body(%arg0: i32, %arg1: memref<64x16384xf32, #tpu.memory_space<vmem>>, %arg2: memref<64x64xf32, #tpu.memory_space<vmem>>, %arg3: memref<8192x128xf32, #tpu.memory_space<vmem>>) attributes {dimension_semantics = [#tpu.dimension_semantics<arbitrary>], iteration_bounds = array<i64: 62>, scalar_prefetch = 0 : i64, scratch_operands = 0 : i64, tpu.core_type = #tpu.core_type<tc>, window_params = [{transform_indices = @transform_0, window_bounds = array<i64: 64, 16384>}, {pipeline_mode = #tpu.pipeline_mode<synchronous>, transform_indices = @transform_1, window_bounds = array<i64: 64, 64>}, {transform_indices = @transform_2, window_bounds = array<i64: 8192, 128>}]} {
    %get3A = arith.constant 0 : index
    %get3A_0 = arith.constant 0 : index
    %get3A_1 = vector.load %arg2[%get3A, %get3A_0] : memref<64x64xf32, #tpu.memory_space<vmem>>, vector<64x64xf32>
    %get3A_2 = arith.constant 0 : index
    %get3A_3 = arith.constant 0 : index
    %get3A_4 = vector.load %arg1[%get3A_2, %get3A_3] : memref<64x16384xf32, #tpu.memory_space<vmem>>, vector<64x8192xf32>
    %dot_general3A = arith.constant dense<0.000000e+00> : vector<8192x64xf32>
    %dot_general3A_5 = tpu.matmul %get3A_4, %get3A_1, %dot_general3A {dimension_numbers = #tpu.dot_dimension_numbers<[0], [0], [1], [1], [0, 1, 1, 1], [], []>, transpose_lhs_hint = false} : vector<64x8192xf32>, vector<64x64xf32>, vector<8192x64xf32> -> vector<8192x64xf32>
    %swap3A = arith.constant 0 : index
    %swap3A_6 = arith.constant 0 : index
    %swap3A_7 = vector.load %arg3[%swap3A, %swap3A_6] : memref<8192x128xf32, #tpu.memory_space<vmem>>, vector<8192x64xf32>
    tpu.vector_store %arg3[%swap3A, %swap3A_6], %dot_general3A_5 {strides = array<i32>} : memref<8192x128xf32, #tpu.memory_space<vmem>>, vector<8192x64xf32>,
    %get3A_8 = arith.constant 0 : index
    %get3A_9 = arith.constant 8192 : index
    %get3A_10 = vector.load %arg1[%get3A_8, %get3A_9] : memref<64x16384xf32, #tpu.memory_space<vmem>>, vector<64x8192xf32>
    %dot_general3A_11 = arith.constant dense<0.000000e+00> : vector<8192x64xf32>
    %dot_general3A_12 = tpu.matmul %get3A_10, %get3A_1, %dot_general3A_11 {dimension_numbers = #tpu.dot_dimension_numbers<[0], [0], [1], [1], [0, 1, 1, 1], [], []>, transpose_lhs_hint = false} : vector<64x8192xf32>, vector<64x64xf32>, vector<8192x64xf32> -> vector<8192x64xf32>
    %swap3A_13 = arith.constant 0 : index
    %swap3A_14 = arith.constant 64 : index
    %swap3A_15 = vector.load %arg3[%swap3A_13, %swap3A_14] : memref<8192x128xf32, #tpu.memory_space<vmem>>, vector<8192x64xf32>
    tpu.vector_store %arg3[%swap3A_13, %swap3A_14], %dot_general3A_12 {strides = array<i32>} : memref<8192x128xf32, #tpu.memory_space<vmem>>, vector<8192x64xf32>,
    return
  }
  func.func @transform_0(%arg0: i32) -> (i32, i32) {
    %c0_i32 = arith.constant 0 : i32
    %c0_i32_0 = arith.constant 0 : i32
    return %c0_i32, %arg0 : i32, i32
  }
  func.func @transform_1(%arg0: i32) -> (i32, i32) {
    %c0_i32 = arith.constant 0 : i32
    %c0_i32_0 = arith.constant 0 : i32
    %c0_i32_1 = arith.constant 0 : i32
    return %c0_i32, %c0_i32_0 : i32, i32
  }
  func.func @transform_2(%arg0: i32) -> (i32, i32) {
    %c0_i32 = arith.constant 0 : i32
    %c0_i32_0 = arith.constant 0 : i32
    return %arg0, %c0_i32 : i32, i32
  }
}

module attributes {stable_mosaic.version = 14 : i64} {
  func.func @body(%arg0: i32, %arg1: i32, %arg2: memref<512x512xf32, #tpu.memory_space<vmem>>, %arg3: memref<512x512xf32, #tpu.memory_space<vmem>>) attributes {dimension_semantics = [#tpu.dimension_semantics<arbitrary>, #tpu.dimension_semantics<arbitrary>], iteration_bounds = array<i64: 8, 25>, scalar_prefetch = 0 : i64, scratch_operands = 0 : i64, tpu.core_type = #tpu.core_type<tc>, window_params = [{transform_indices = @transform_0, window_bounds = array<i64: 512, 512>}, {transform_indices = @transform_1, window_bounds = array<i64: 512, 512>}]} {
    %get3A = arith.constant 0 : index
    %get3A_0 = arith.constant 0 : index
    %get3A_1 = vector.load %arg2[%get3A, %get3A_0] : memref<512x512xf32, #tpu.memory_space<vmem>>, vector<512x512xf32>
    %transpose3A = tpu.transpose %get3A_1, [1, 0] : vector<512x512xf32> -> vector<512x512xf32>
    %swap3A = arith.constant 0 : index
    %swap3A_2 = arith.constant 0 : index
    %swap3A_3 = vector.load %arg3[%swap3A, %swap3A_2] : memref<512x512xf32, #tpu.memory_space<vmem>>, vector<512x512xf32>
    tpu.vector_store %arg3[%swap3A, %swap3A_2], %transpose3A {strides = array<i32>} : memref<512x512xf32, #tpu.memory_space<vmem>>, vector<512x512xf32>,
    return
  }
  func.func @transform_0(%arg0: i32, %arg1: i32) -> (i32, i32) {
    %c0_i32 = arith.constant 0 : i32
    return %arg0, %arg1 : i32, i32
  }
  func.func @transform_1(%arg0: i32, %arg1: i32) -> (i32, i32) {
    %c0_i32 = arith.constant 0 : i32
    return %arg1, %arg0 : i32, i32
  }
}

</mosaic_0001>

<sc_bundles>
// kernel: kernel.5.cloned.1.call-start
scs
__scs_entry_jumppad:
0x0: {  	(pc) =	sbr.rel $0x88, $3  }
0x1: {  	(tag) =	ssettag $0x0;
	lr =	simm.s32 $0x1  }
0x2: {  	[smem:$0x3F9F] =	sst lr;
	_ =	strace $0xD0000000  }
0x3: {  	_ = 	snop  }
0x4: {  	_ = 	snop  }
0x5: {  	_ = 	snop  }
0x6: {  	_ = 	snop  }
0x7: {  	_ = 	snop  }
__scs_overlays_trampoline_lowered:
0x8: {  	[smem:$0x3FAE] =	sst s0  }
0x9: {  	[smem:$0x3FAF] =	sst s1  }
0xa: {  	[smem:$0x3FB0] =	sst s2  }
0xb: {  	[smem:$0x3FB1] =	sst s3  }
0xc: {  	[smem:$0x3FB2] =	sst s4  }
0xd: {  	[smem:$0x3FB3] =	sst s5  }
0xe: {  	[smem:$0x3FB4] =	sst s6  }
0xf: {  	[smem:$0x3FB5] =	sst s7  }
0x10: {  	[smem:$0x3FB6] =	sst s8  }
0x11: {  	[smem:$0x3FB7] =	sst s9;
	s0 =	simm.s32 @!p0 $0x0  }
0x12: {  	s1 =	sld [smem:$0x3F9D];
	s0 =	simm.s32 @p0 $0x1  }
0x13: {  	[smem:$0x3FB8] =	sst s0;
	s0 =	simm.s32 @!p1 $0x0  }
0x14: {  	s2 =	sld [smem:$0x3F9C];
	s0 =	simm.s32 @p1 $0x1  }
0x15: {  	[smem:$0x3FB9] =	sst s0;
	s0 =	simm.s32 @!p2 $0x0  }
0x16: {  	s3 =	sld [smem:$0x3FDB];
	s0 =	simm.s32 @p2 $0x1  }
0x17: {  	s4 =	simm.s32 $0x1BF5;
	[smem:$0x3FBB] =	sst s0  }
0x18: {  	s0 =	sld [smem:$0x3F9E];
	_ =	swait.ge [sflag:s4], $0x0  }
0x19: {  	s7 =	sld [smem:$0x3F9F]  }
0x1a: {  	s8 =	sadd.s32 $0xFFFFE003, lr  }
0x1b: {  	s9 =	sadd.s32 $0xFFFFFEF7, lr;
	s5 =	simm.s32 $0xFFFFFFFF;
	p2 =	slt.u32 s8, $0xFFFFF086  }
0x1c: {  	p1 =	slt.u32 s9, $0xF7A;
	s5 =	simm.s32 @!p2 $0x0  }
0x1d: {  	s5 =	simm.s32 @p1 $0x1;
	p0 =	seq.s32 s7, s2  }
0x1e: {  	s7 =	smul.u32 @!p0 $0xF7A, s2;
	p2 =	seq.s32 @!p0 s5, $0x0  }
0x1f: {  	s9 =	smul.u32 $0xF7A, s1;
	s8 =	simm.s32 @!p0 $0x1BF5;
	p2 =	por !p2, p0  }
0x20: {  	[sflag:s8] =	ssyncset.s32 @!p0 $0xFFFFF086;
	s6 =	sadd.s32 @!p0 s3, s7;
	s7 =	simm.s32 @!p0 $0x108  }
0x21: {  	s3 =	sadd.s32 s3, s9;
	s6 =	sadd.s32 @!p0 $0x88, s6;
	s7 =	simm.s32 @p2 $0x1082  }
0x22: {  	[simem:s7], [sflag:s8] =	dma.local @!p0 [hbm:s6], $0xF7A  }
0x23: {  	s9 =	sor.u32 $0xD0000000, s2;
	s6 =	simm.s32 $0x108;
	_ =	swait.ge @!p0 [sflag:s8], $0x0  }
0x24: {  	s3 =	sadd.s32 $0x88, s3;
	s6 =	simm.s32 @!p1 $0x1082;
	[sflag:s4] =	ssyncset.s32 $0xFFFFF086  }
0x25: {  	[simem:s6], [sflag:s4] =	dma.local [hbm:s3], $0xF7A  }
0x26: {  	[smem:$0x3F9F] =	sst s1;
	(tag) =	ssettag s2;
	_ =	strace s9  }
0x27: {  	s1 =	sld [smem:$0x3FAF]  }
0x28: {  	s2 =	sld [smem:$0x3FB0]  }
0x29: {  	s4 =	sld [smem:$0x3FB2]  }
0x2a: {  	p0 =	seq.s32 s5, $0x0;
	s5 =	sld [smem:$0x3FB3]  }
0x2b: {  	s6 =	sld [smem:$0x3FB4]  }
0x2c: {  	s7 =	sld [smem:$0x3FB5]  }
0x2d: {  	s3 =	simm.s32 $0x108;
	s8 =	sld [smem:$0x3FB6]  }
0x2e: {  	s3 =	simm.s32 @!p0 $0x1082;
	s9 =	sld [smem:$0x3FB7]  }
0x2f: {  	lr =	sadd.s32 s0, s3;
	s0 =	sld [smem:$0x3FAE]  }
0x30: {  	s3 =	sld [smem:$0x3FB1]  }
0x31: {  	[smem:$0x3FBA] =	sst s10  }
0x32: {  	s10 =	sld [smem:$0x3FB8];
	_ =	sdelay $0x3  }
0x33: {  	p0 =	seq.s32 s10, $0x1;
	s10 =	sld [smem:$0x3FBA];
	_ =	sdelay $0x3  }
0x34: {  	[smem:$0x3FBA] =	sst s10  }
0x35: {  	s10 =	sld [smem:$0x3FB9];
	_ =	sdelay $0x3  }
0x36: {  	p1 =	seq.s32 s10, $0x1;
	s10 =	sld [smem:$0x3FBA];
	_ =	sdelay $0x3  }
0x37: {  	[smem:$0x3FBA] =	sst s10  }
0x38: {  	s10 =	sld [smem:$0x3FBB]  }
0x39: {  	_ = 	snop;
	(pc) =	sbr.ind lr, $3  }
0x3a: {  	_ = 	snop  }
0x3b: {  	_ = 	snop  }
0x3c: {  	p2 =	seq.s32 s10, $0x1;
	s10 =	sld [smem:$0x3FBA]  }
0x3d: {  	_ =	shalt  }
0x3e: {  	_ =	shalt  }
0x3f: {  	_ =	shalt  }
0x40: {  	_ =	shalt  }
0x41: {  	_ =	shalt  }
0x42: {  	_ =	shalt  }
0x43: {  	_ =	shalt  }
0x44: {  	_ =	shalt  }
0x45: {  	_ =	shalt  }
0x46: {  	_ =	shalt  }
0x47: {  	_ =	shalt  }
0x48: {  	_ =	shalt  }
0x49: {  	_ =	shalt  }
0x4a: {  	_ =	shalt  }
0x4b: {  	_ =	shalt  }
0x4c: {  	_ =	shalt  }
0x4d: {  	_ =	shalt  }
0x4e: {  	_ =	shalt  }
0x4f: {  	_ =	shalt  }
0x50: {  	_ =	shalt  }
0x51: {  	_ =	shalt  }
0x52: {  	_ =	shalt  }
0x53: {  	_ =	shalt  }
0x54: {  	_ =	shalt  }
0x55: {  	_ =	shalt  }
0x56: {  	_ =	shalt  }
0x57: {  	_ =	shalt  }
0x58: {  	_ =	shalt  }
0x59: {  	_ =	shalt  }
0x5a: {  	_ =	shalt  }
0x5b: {  	_ =	shalt  }
0x5c: {  	_ =	shalt  }
0x5d: {  	_ =	shalt  }
0x5e: {  	_ =	shalt  }
0x5f: {  	_ =	shalt  }
0x60: {  	_ =	shalt  }
0x61: {  	_ =	shalt  }
0x62: {  	_ =	shalt  }
0x63: {  	_ =	shalt  }
0x64: {  	_ =	shalt  }
0x65: {  	_ =	shalt  }
0x66: {  	_ =	shalt  }
0x67: {  	_ =	shalt  }
0x68: {  	_ =	shalt  }
0x69: {  	_ =	shalt  }
0x6a: {  	_ =	shalt  }
0x6b: {  	_ =	shalt  }
0x6c: {  	_ =	shalt  }
0x6d: {  	_ =	shalt  }
0x6e: {  	_ =	shalt  }
0x6f: {  	_ =	shalt  }
0x70: {  	_ =	shalt  }
0x71: {  	_ =	shalt  }
0x72: {  	_ =	shalt  }
0x73: {  	_ =	shalt  }
0x74: {  	_ =	shalt  }
0x75: {  	_ =	shalt  }
0x76: {  	_ =	shalt  }
0x77: {  	_ =	shalt  }
0x78: {  	_ =	shalt  }
0x79: {  	_ =	shalt  }
0x7a: {  	_ =	shalt  }
0x7b: {  	_ =	shalt  }
0x7c: {  	_ =	shalt  }
0x7d: {  	_ =	shalt  }
0x7e: {  	_ =	shalt  }
0x7f: {  	_ =	shalt  }
0x80: {  	_ =	shalt  }
0x81: {  	_ =	shalt  }
0x82: {  	_ =	shalt  }
0x83: {  	_ =	shalt  }
0x84: {  	_ =	shalt  }
0x85: {  	_ =	shalt  }
0x86: {  	_ =	shalt  }
0x87: {  	_ =	shalt  }
.Lfunc_end0:
.L_simem_size_0:
called_computation_lowered:
.L_overlay_start_0:
0x88: {  	s2 =	sld [smem:$0x3FD9]  }
0x89: {  	s3 =	sld [smem:$0x3FFE];
	_ =	sdelay $0x1  }
0x8a: {  	s1 =	srdreg.scid  }
0x8b: {  	s0 =	sand.u32 $0x1, s1  }
0x8c: {  	s17 =	sshll.u32 s0, $0xA;
	s2 =	sadd.s32 s3, s2  }
0x8d: {  	s2 =	sadd.s32 s2, s17  }
0x8e: {  	[smem:$0x3FC6] =	sst s2  }
0x8f: {  	_ = 	snop  }
0x90: {  	s2 =	sld [smem:$0x3FD0];
	(tm) =	ssettm $0x1  }
0x91: {  	s18 =	sld [smem:$0x3FFB];
	_ =	sdelay $0x3  }
0x92: {  	_ =	strace s18  }
0x93: {  	s3 =	sld [smem:$0x3FFC];
	_ =	sdelay $0x3  }
0x94: {  	_ =	strace s3  }
0x95: {  	s3 =	sld [smem:$0x3FFD];
	_ =	sdelay $0x3  }
0x96: {  	_ =	strace s3  }
0x97: {  	_ =	strace $0x8FFFFFFF  }
0x98: {  	s19 =	sld [smem:$0x3FDB];
	_ =	sdelay $0x1  }
0x99: {  	s4 =	simm.s32 $_scs_section_size  }
0x9a: {  	s5 =	simm.s32 $_size__tile_overlayer_lowered;
	s6 =	simm.s32 $_tile_overlayer_lowered  }
0x9b: {  	s22 =	simm.s32 $0x1BFF;
	s21 =	sshll.u32 s6, $0x1;
	s3 =	sadd.s32 s4, s19  }
0x9c: {  	s7 =	simm.s32 $0x0;
	s20 =	sshll.u32 s5, $0x1;
	s5 =	sadd.s32 s21, s3  }
0x9d: {  	[timem:s7], [sflag:s22] =	dma.local [hbm:s5], s20  }
0x9e: {  	_ =	swait.ge [sflag:s22], s20  }
0x9f: {  	s4 =	ssub.s32 $0x0, s20;
	[sflag:s22] =	ssyncset.done $0x0  }
0xa0: {  	[sflag:s22] =	ssyncadd.s32 s4;
	_ =	sdelay $0x1  }
0xa1: {  	s23 =	simm.s32 $0x1B8B  }
0xa2: {  	_ =	swait.ge [sflag:s23], $0x1  }
0xa3: {  	[sflag:s23] =	ssyncset.done $0x0  }
0xa4: {  	s25 =	simm.s32 $0x1B8E;
	s24 =	sld [smem:$0x3FFE];
	[sflag:s23] =	ssyncadd.s32 $0xFFFFFFFF  }
0xa5: {  	s26 =	simm.s32 $execute0_lowered;
	[smem:$0x3FD2] =	sst s25  }
0xa6: {  	s5 =	sshll.u32 s26, $0x1;
	_ =	strace $0x80000046;
	[dreg:$0x1] =	wrdreg $0xFFFFFFFF  }
0xa7: {  	s28 =	simm.s32 $_size_execute0_lowered;
	s3 =	sadd.s32 s3, s5;
	[dreg:$0x0] =	wrdreg $0x0  }
0xa8: {  	s5 =	sshll.u32 s28, $0x1;
	[dreg:$0x2] =	wrdreg s3  }
0xa9: {  	[dreg:$0x3] =	wrdreg s5  }
0xaa: {  	[dreg:$0x4] =	wrdreg $0xC0  }
0xab: {  	_ =	task [dreg:s7], $0x5FFFF  }
0xac: {  	[dreg:$0x1] =	wrdreg $0xFFFFFFFF  }
0xad: {  	[dreg:$0x0] =	wrdreg $0x60  }
0xae: {  	[dreg:$0x2] =	wrdreg s24  }
0xaf: {  	[dreg:$0x3] =	wrdreg s2  }
0xb0: {  	[dreg:$0x4] =	wrdreg $0x9  }
0xb1: {  	_ =	task.clear_ibuf [dreg:s7], $0x5FFFF;
	_ =	strace $0x90000046  }
0xb2: {  	s29 =	simm.s32 $0x9;
	_ =	strace $0x80000048  }
0xb3: {  	_ =	swait.ge [sflag:s29], $0x1  }
0xb4: {  	[sflag:s29] =	ssyncadd.s32 $0xFFFFFFFF  }
0xb5: {  	_ =	strace $0x90000048  }
0xb6: {  	_ =	sfence  }
0xb7: {  	s30 =	sld [smem:$0x0];
	_ =	sdelay $0x2  }
0xb8: {  	s31 =	sshll.u32 s1, $0xD;
	s1 =	sshrl.u32 s1, $0x2  }
0xb9: {  	s3 =	sand.u32 $0x4000, s31;
	s1 =	sadd.s32 s1, s30  }
0xba: {  	s0 =	sor.u32 s3, s0;
	s1 =	sshll.u32 s1, $0x11  }
0xbb: {  	s0 =	sor.u32 s1, s0  }
0xbc: {  	s0 =	sadd.s32 $0x8F2B, s0  }
0xbd: {  	[sflag:s0] =	ssyncadd.remote.s32 $0x1  }
0xbe: {  	_ =	sfence.sel $0xFFFF  }
0xbf: {  	[dreg:$0x0] =	wrdreg $0xFFFFFFFF;
	(pc) =	sbr.abs _section_cstart, $3  }
0xc0: {  	[dreg:$0x1] =	wrdreg $0xFFFFFFFF  }
0xc1: {  	_ =	task.clear_ibuf [dreg:s7], $0x2FFFF;
	_ =	strace $0x9FFFFFFF  }
0xc2: {  	(tm) =	ssettm $0x7FFFFFFF  }
0xc3: {  	_ =	shalt  }
tec
execute0_lowered:
.L_overlay_start_1:
0x0: {  	(tag) =	ssettag $0x1  }
0x1: {  	s0 =	srdreg.scid;
	s1 =	rddreg [dreg:$0x0]  }
0x2: {  	s3 =	stileid.u32;
	s2 =	rddreg [dreg:$0x1]  }
0x3: {  	s8 =	simm.s32 $0x9;
	s9 =	simm.s32 $0x68;
	s11 =	simm.s32 $0x60  }
0x4: {  	s23 =	simm.s32 $0x2C0;
	s24 =	simm.s32 $0x11400;
	s25 =	simm.s32 $0x1  }
0x5: {  	s26 =	simm.s32 $0x12C00;
	s28 =	simm.s32 $0x2;
	s29 =	simm.s32 $0x15E00  }
0x6: {  	s30 =	simm.s32 $0x3;
	s31 =	simm.s32 $0x19000;
	s10 =	simm.s32 $0x5  }
0x7: {  	s12 =	simm.s32 $0x6;
	s13 =	simm.s32 $0x7;
	s0 =	sand.u32 $0x1, s0  }
0x8: {  	s14 =	simm.s32 $0x8;
	s3 =	sshll.u32 s3, $0x8;
	s4 =	sshll.u32 s0, $0x7  }
0x9: {  	s0 =	ssub.s32 $0x2, s0;
	s3 =	sor.u32 s4, s3;
	s4 =	simm.s32 $0x0  }
0xa: {  	s6 =	sshrl.u32 s0, $0x1;
	s5 =	smul.u32 $0x19, s3;
	[smem:$0x7FF] =	sst s4  }
0xb: {  	s15 =	simm.s32 $0x0;
	s0 =	ssub.s32 s0, s6;
	_ =	strace $0x80000047  }
0xc: {  	s7 =	sadd.s32 s5, s1;
	s5 =	sadd.s32 $0x19400, s1;
	s1 =	simm.s32 $0x4  }
0xd: {  	s6 =	sadd.s32 $0x400, s7;
	s7 =	smax.u32 s0, $0x1;
	s0 =	simm.s32 $0x1C200  }
.LBB2_1:
0xe: {  	[tilespmem:s4], [sflag:$0x9] =	stream.linear.gather [hbm4b:s6+s4], $0x6400, $0x38;
	[tilespmem:$0x1F400] =	vst v63  }
0xf: {  	_ =	swait.ge [sflag:s8], $0x6400  }
0x10: {  	[sflag:s8] =	ssyncset.done $0x0  }
0x11: {  	s16 =	simm.s32 $0x6400;
	[sflag:s8] =	ssyncadd.s32 $0xFFFF9C00  }
0x12: {  	[tilespmem:s16], [sflag:$0x1] =	stream.indirect.gather [hbm4b:s5+s9], $0x40, s4, s9, $0xb8;
	[tilespmem:$0x1F400] =	vst v63  }
0x13: {  	s19 =	simm.s32 $0x7E00  }
0x14: {  	[tilespmem:s19], [sflag:$0x1] =	stream.indirect.gather [hbm4b:s5+s11], $0x40, s9, s11, $0xb8;
	[tilespmem:$0x1F400] =	vst v63  }
0x15: {  	s20 =	simm.s32 $0xC8;
	s17 =	simm.s32 $0x9600  }
0x16: {  	[tilespmem:s17], [sflag:$0x2] =	stream.indirect.gather [hbm4b:s5+s9], $0x40, s20, s9, $0xb8;
	[tilespmem:$0x1F400] =	vst v63  }
0x17: {  	s21 =	simm.s32 $0x130;
	s22 =	simm.s32 $0xB000  }
0x18: {  	[tilespmem:s22], [sflag:$0x2] =	stream.indirect.gather [hbm4b:s5+s11], $0x40, s21, s11, $0xb8;
	[tilespmem:$0x1F400] =	vst v63  }
0x19: {  	s18 =	simm.s32 $0xC800;
	s17 =	simm.s32 $0x190  }
0x1a: {  	[tilespmem:s18], [sflag:$0x3] =	stream.indirect.gather [hbm4b:s5+s9], $0x40, s17, s9, $0xb8;
	[tilespmem:$0x1F400] =	vst v63  }
0x1b: {  	s19 =	simm.s32 $0x1F8;
	s20 =	simm.s32 $0xE200  }
0x1c: {  	[tilespmem:s20], [sflag:$0x3] =	stream.indirect.gather [hbm4b:s5+s11], $0x40, s19, s11, $0xb8;
	[tilespmem:$0x1F400] =	vst v63  }
0x1d: {  	s21 =	simm.s32 $0x258;
	s22 =	simm.s32 $0xFA00  }
0x1e: {  	[tilespmem:s22], [sflag:$0x4] =	stream.indirect.gather [hbm4b:s5+s9], $0x40, s21, s9, $0xb8;
	[tilespmem:$0x1F400] =	vst v63  }
0x1f: {  	s16 =	simm.s32 $0x0  }
0x20: {  	[tilespmem:s24], [sflag:$0x4] =	stream.indirect.gather [hbm4b:s5+s11], $0x40, s23, s11, $0xb8;
	[tilespmem:$0x1F400] =	vst v63  }
.LBB2_2:
0x21: {  	p1 =	seq.s32 s16, $0x0  }
0x22: {  	s17 =	simm.s32 @!p1 $0x5  }
0x23: {  	_ =	swait.ge @!p1 [sflag:s17], $0x3200  }
0x24: {  	[sflag:s17] =	ssyncset.done @!p1 $0x0  }
0x25: {  	[sflag:s17] =	ssyncadd.s32 @!p1 $0xFFFFCE00  }
0x26: {  	_ =	swait.ge [sflag:s25], $0x1A00  }
0x27: {  	[sflag:s25] =	ssyncset.done $0x0  }
0x28: {  	[sflag:s25] =	ssyncadd.s32 $0xFFFFE600  }
0x29: {  	_ =	swait.ge [sflag:s25], $0x1800  }
0x2a: {  	[sflag:s25] =	ssyncset.done $0x0  }
0x2b: {  	s19 =	simm.s32 $0x0;
	[sflag:s25] =	ssyncadd.s32 $0xFFFFE800  }
0x2c: {  	v1 =	vld [tilespmem:s19+$0x6430]  }
0x2d: {  	v2 =	vld [tilespmem:s19+$0x6400]  }
0x2e: {  	v3 =	vld [tilespmem:s19+$0x6410]  }
0x2f: {  	v0 =	vld [tilespmem:s19+$0x6420]  }
0x30: {  	s18 =	sshll.u32 s16, $0x2;
	s17 =	simm.s32 $0x100  }
.LBB2_3:
0x31: {  	s20 =	sshra.s32 s17, $0x2;
	p0 =	sne.s32 s17, $0xC700;
	s17 =	sadd.s32 $0x100, s17;
	v4 =	vmul.f32 $8.000000000e+00, v1  }
.Ltmp0:
0x32: {  	v1 =	vld [tilespmem:s20+$0x6430];
	v5 =	vmul.f32 $8.000000000e+00, v2;
	(pc) =	sbr.rel @p0 .LBB2_3-.Ltmp0, $4  }
0x33: {  	v2 =	vld [tilespmem:s20+$0x6400];
	v6 =	vmul.f32 $8.000000000e+00, v3;
	[tilespmem:s19+$0x12C30] =	vst v4  }
0x34: {  	v3 =	vld [tilespmem:s20+$0x6410];
	[tilespmem:s19+$0x12C00] =	vst v5;
	v4 =	vmul.f32 $8.000000000e+00, v0  }
0x35: {  	v0 =	vld [tilespmem:s20+$0x6420];
	[tilespmem:s19+$0x12C10] =	vst v6  }
0x36: {  	[tilespmem:s19+$0x12C20] =	vst v4;
	s19 =	smov.u32 s20  }
0x37: {  	v1 =	vmul.f32 $8.000000000e+00, v1  }
0x38: {  	p0 =	seq.s32 s16, $0x1F;
	v2 =	vmul.f32 $8.000000000e+00, v2  }
0x39: {  	s17 =	smul.u32 @!p0 $0xC80, s16;
	v3 =	vmul.f32 $8.000000000e+00, v3;
	[tilespmem:s19+$0x12C30] =	vst v1  }
0x3a: {  	[tilespmem:s19+$0x12C00] =	vst v2;
	v0 =	vmul.f32 $8.000000000e+00, v0  }
0x3b: {  	s17 =	sshra.s32 @!p0 s17, $0x2;
	[tilespmem:s19+$0x12C10] =	vst v3  }
0x3c: {  	s20 =	simm.s32 @!p0 $0x68;
	s21 =	simm.s32 @!p0 $0x6400;
	[tilespmem:s19+$0x12C20] =	vst v0;
	s19 =	sadd.s32 @!p0 $0x320, s17  }
0x3d: {  	[tilespmem:s21], [sflag:$0x1] =	stream.indirect.gather @!p0 [hbm4b:s5+s20], $0x40, s19, s20, $0xb8;
	[tilespmem:$0x1F400] =	vst v63  }
0x3e: {  	s22 =	simm.s32 @!p0 $0x7E00;
	s20 =	sadd.s32 s3, s18  }
0x3f: {  	s19 =	sadd.s32 @!p0 $0x388, s17;
	s21 =	simm.s32 @!p0 $0x60;
	s20 =	smul.u32 $0x640, s20  }
0x40: {  	[tilespmem:s22], [sflag:$0x1] =	stream.indirect.gather @!p0 [hbm4b:s5+s21], $0x40, s19, s21, $0xb8;
	[tilespmem:$0x1F400] =	vst v63  }
0x41: {  	s19 =	simm.s32 @!p1 $0x6;
	s22 =	sadd.s32 s2, s20  }
0x42: {  	[hbm4b:s22+s4] =	stream.linear.scatter [tilespmem:s26], [sflag:$0x5], $0x3200, $0x38;
	[tilespmem:$0x1F400] =	vst v63  }
0x43: {  	_ =	swait.ge @!p1 [sflag:s19], $0x3200  }
0x44: {  	[sflag:s19] =	ssyncset.done @!p1 $0x0  }
0x45: {  	[sflag:s19] =	ssyncadd.s32 @!p1 $0xFFFFCE00  }
0x46: {  	_ =	swait.ge [sflag:s28], $0x1A00  }
0x47: {  	[sflag:s28] =	ssyncset.done $0x0  }
0x48: {  	[sflag:s28] =	ssyncadd.s32 $0xFFFFE600  }
0x49: {  	_ =	swait.ge [sflag:s28], $0x1800  }
0x4a: {  	[sflag:s28] =	ssyncset.done $0x0  }
0x4b: {  	s20 =	simm.s32 $0x0;
	[sflag:s28] =	ssyncadd.s32 $0xFFFFE800  }
0x4c: {  	v0 =	vld [tilespmem:s20+$0x9630]  }
0x4d: {  	v1 =	vld [tilespmem:s20+$0x9600]  }
0x4e: {  	v3 =	vld [tilespmem:s20+$0x9610]  }
0x4f: {  	v2 =	vld [tilespmem:s20+$0x9620]  }
0x50: {  	s21 =	simm.s32 $0x100;
	s19 =	sor.u32 $0x1, s18  }
.LBB2_5:
0x51: {  	s22 =	sshra.s32 s21, $0x2;
	p2 =	sne.s32 s21, $0xC700;
	s21 =	sadd.s32 $0x100, s21;
	v4 =	vmul.f32 $8.000000000e+00, v0  }
.Ltmp1:
0x52: {  	v0 =	vld [tilespmem:s22+$0x9630];
	v5 =	vmul.f32 $8.000000000e+00, v1;
	(pc) =	sbr.rel @p2 .LBB2_5-.Ltmp1, $4  }
0x53: {  	v1 =	vld [tilespmem:s22+$0x9600];
	v6 =	vmul.f32 $8.000000000e+00, v3;
	[tilespmem:s20+$0x15E30] =	vst v4  }
0x54: {  	v3 =	vld [tilespmem:s22+$0x9610];
	[tilespmem:s20+$0x15E00] =	vst v5;
	v4 =	vmul.f32 $8.000000000e+00, v2  }
0x55: {  	v2 =	vld [tilespmem:s22+$0x9620];
	[tilespmem:s20+$0x15E10] =	vst v6  }
0x56: {  	[tilespmem:s20+$0x15E20] =	vst v4;
	s20 =	smov.u32 s22  }
0x57: {  	v0 =	vmul.f32 $8.000000000e+00, v0  }
0x58: {  	v1 =	vmul.f32 $8.000000000e+00, v1  }
0x59: {  	v3 =	vmul.f32 $8.000000000e+00, v3;
	[tilespmem:s20+$0x15E30] =	vst v0  }
0x5a: {  	[tilespmem:s20+$0x15E00] =	vst v1;
	v0 =	vmul.f32 $8.000000000e+00, v2  }
0x5b: {  	s21 =	simm.s32 @!p0 $0x68;
	s19 =	sadd.s32 s3, s19;
	[tilespmem:s20+$0x15E10] =	vst v3  }
0x5c: {  	s22 =	simm.s32 @!p0 $0x9600;
	s19 =	smul.u32 $0x640, s19;
	[tilespmem:s20+$0x15E20] =	vst v0;
	s20 =	sadd.s32 @!p0 $0x3E8, s17  }
0x5d: {  	[tilespmem:s22], [sflag:$0x2] =	stream.indirect.gather @!p0 [hbm4b:s5+s21], $0x40, s20, s21, $0xb8;
	[tilespmem:$0x1F400] =	vst v63  }
0x5e: {  	s20 =	sadd.s32 @!p0 $0x450, s17;
	s21 =	simm.s32 @!p0 $0x60;
	s22 =	simm.s32 @!p0 $0xB000  }
0x5f: {  	[tilespmem:s22], [sflag:$0x2] =	stream.indirect.gather @!p0 [hbm4b:s5+s21], $0x40, s20, s21, $0xb8;
	[tilespmem:$0x1F400] =	vst v63  }
0x60: {  	s19 =	sadd.s32 s2, s19  }
0x61: {  	[hbm4b:s19+s4] =	stream.linear.scatter [tilespmem:s29], [sflag:$0x6], $0x3200, $0x38;
	[tilespmem:$0x1F400] =	vst v63  }
0x62: {  	s19 =	simm.s32 @!p1 $0x7  }
0x63: {  	_ =	swait.ge @!p1 [sflag:s19], $0x3200  }
0x64: {  	[sflag:s19] =	ssyncset.done @!p1 $0x0  }
0x65: {  	[sflag:s19] =	ssyncadd.s32 @!p1 $0xFFFFCE00  }
0x66: {  	_ =	swait.ge [sflag:s30], $0x1A00  }
0x67: {  	[sflag:s30] =	ssyncset.done $0x0  }
0x68: {  	[sflag:s30] =	ssyncadd.s32 $0xFFFFE600  }
0x69: {  	_ =	swait.ge [sflag:s30], $0x1800  }
0x6a: {  	[sflag:s30] =	ssyncset.done $0x0  }
0x6b: {  	s20 =	simm.s32 $0x0;
	[sflag:s30] =	ssyncadd.s32 $0xFFFFE800  }
0x6c: {  	v0 =	vld [tilespmem:s20+$0xC830]  }
0x6d: {  	v1 =	vld [tilespmem:s20+$0xC800]  }
0x6e: {  	v3 =	vld [tilespmem:s20+$0xC810]  }
0x6f: {  	v2 =	vld [tilespmem:s20+$0xC820]  }
0x70: {  	s21 =	simm.s32 $0x100;
	s19 =	sor.u32 $0x2, s18  }
.LBB2_7:
0x71: {  	s22 =	sshra.s32 s21, $0x2;
	p2 =	sne.s32 s21, $0xC700;
	s21 =	sadd.s32 $0x100, s21;
	v4 =	vmul.f32 $8.000000000e+00, v0  }
.Ltmp2:
0x72: {  	v0 =	vld [tilespmem:s22+$0xC830];
	v5 =	vmul.f32 $8.000000000e+00, v1;
	(pc) =	sbr.rel @p2 .LBB2_7-.Ltmp2, $4  }
0x73: {  	v1 =	vld [tilespmem:s22+$0xC800];
	v6 =	vmul.f32 $8.000000000e+00, v3;
	[tilespmem:s20+$0x19030] =	vst v4  }
0x74: {  	v3 =	vld [tilespmem:s22+$0xC810];
	[tilespmem:s20+$0x19000] =	vst v5;
	v4 =	vmul.f32 $8.000000000e+00, v2  }
0x75: {  	v2 =	vld [tilespmem:s22+$0xC820];
	[tilespmem:s20+$0x19010] =	vst v6  }
0x76: {  	[tilespmem:s20+$0x19020] =	vst v4;
	s20 =	smov.u32 s22  }
0x77: {  	v0 =	vmul.f32 $8.000000000e+00, v0  }
0x78: {  	v1 =	vmul.f32 $8.000000000e+00, v1  }
0x79: {  	v3 =	vmul.f32 $8.000000000e+00, v3;
	[tilespmem:s20+$0x19030] =	vst v0  }
0x7a: {  	[tilespmem:s20+$0x19000] =	vst v1;
	v0 =	vmul.f32 $8.000000000e+00, v2  }
0x7b: {  	s21 =	simm.s32 @!p0 $0x68;
	s19 =	sadd.s32 s3, s19;
	[tilespmem:s20+$0x19010] =	vst v3  }
0x7c: {  	s22 =	simm.s32 @!p0 $0xC800;
	s19 =	smul.u32 $0x640, s19;
	[tilespmem:s20+$0x19020] =	vst v0;
	s20 =	sadd.s32 @!p0 $0x4B0, s17  }
0x7d: {  	[tilespmem:s22], [sflag:$0x3] =	stream.indirect.gather @!p0 [hbm4b:s5+s21], $0x40, s20, s21, $0xb8;
	[tilespmem:$0x1F400] =	vst v63  }
0x7e: {  	s20 =	sadd.s32 @!p0 $0x518, s17;
	s21 =	simm.s32 @!p0 $0x60;
	s22 =	simm.s32 @!p0 $0xE200  }
0x7f: {  	[tilespmem:s22], [sflag:$0x3] =	stream.indirect.gather @!p0 [hbm4b:s5+s21], $0x40, s20, s21, $0xb8;
	[tilespmem:$0x1F400] =	vst v63  }
0x80: {  	s19 =	sadd.s32 s2, s19  }
0x81: {  	[hbm4b:s19+s4] =	stream.linear.scatter [tilespmem:s31], [sflag:$0x7], $0x3200, $0x38;
	[tilespmem:$0x1F400] =	vst v63  }
0x82: {  	s19 =	simm.s32 @!p1 $0x8  }
0x83: {  	_ =	swait.ge @!p1 [sflag:s19], $0x3200  }
0x84: {  	[sflag:s19] =	ssyncset.done @!p1 $0x0  }
0x85: {  	[sflag:s19] =	ssyncadd.s32 @!p1 $0xFFFFCE00  }
0x86: {  	_ =	swait.ge [sflag:s1], $0x1A00  }
0x87: {  	[sflag:s1] =	ssyncset.done $0x0  }
0x88: {  	[sflag:s1] =	ssyncadd.s32 $0xFFFFE600  }
0x89: {  	_ =	swait.ge [sflag:s1], $0x1800  }
0x8a: {  	[sflag:s1] =	ssyncset.done $0x0  }
0x8b: {  	s19 =	simm.s32 $0x0;
	[sflag:s1] =	ssyncadd.s32 $0xFFFFE800  }
0x8c: {  	v0 =	vld [tilespmem:s19+$0xFA30]  }
0x8d: {  	v1 =	vld [tilespmem:s19+$0xFA00]  }
0x8e: {  	v3 =	vld [tilespmem:s19+$0xFA10]  }
0x8f: {  	v2 =	vld [tilespmem:s19+$0xFA20]  }
0x90: {  	s18 =	sor.u32 $0x3, s18;
	s20 =	simm.s32 $0x100  }
.LBB2_9:
0x91: {  	s21 =	sshra.s32 s20, $0x2;
	p1 =	sne.s32 s20, $0xC700;
	s20 =	sadd.s32 $0x100, s20;
	v4 =	vmul.f32 $8.000000000e+00, v0  }
.Ltmp3:
0x92: {  	v0 =	vld [tilespmem:s21+$0xFA30];
	v5 =	vmul.f32 $8.000000000e+00, v1;
	(pc) =	sbr.rel @p1 .LBB2_9-.Ltmp3, $4  }
0x93: {  	v1 =	vld [tilespmem:s21+$0xFA00];
	v6 =	vmul.f32 $8.000000000e+00, v3;
	[tilespmem:s19+$0x1C230] =	vst v4  }
0x94: {  	v3 =	vld [tilespmem:s21+$0xFA10];
	[tilespmem:s19+$0x1C200] =	vst v5;
	v4 =	vmul.f32 $8.000000000e+00, v2  }
0x95: {  	v2 =	vld [tilespmem:s21+$0xFA20];
	[tilespmem:s19+$0x1C210] =	vst v6  }
0x96: {  	[tilespmem:s19+$0x1C220] =	vst v4;
	s19 =	smov.u32 s21  }
0x97: {  	v0 =	vmul.f32 $8.000000000e+00, v0  }
0x98: {  	v1 =	vmul.f32 $8.000000000e+00, v1  }
0x99: {  	v3 =	vmul.f32 $8.000000000e+00, v3;
	[tilespmem:s19+$0x1C230] =	vst v0  }
0x9a: {  	[tilespmem:s19+$0x1C200] =	vst v1;
	v63 =	vmul.f32 $8.000000000e+00, v2  }
0x9b: {  	s20 =	simm.s32 @!p0 $0x68;
	[tilespmem:s19+$0x1C210] =	vst v3  }
0x9c: {  	s21 =	simm.s32 @!p0 $0xFA00;
	s16 =	sadd.s32 $0x1, s16;
	[tilespmem:s19+$0x1C220] =	vst v63;
	s19 =	sadd.s32 @!p0 $0x578, s17  }
0x9d: {  	[tilespmem:s21], [sflag:$0x4] =	stream.indirect.gather @!p0 [hbm4b:s5+s20], $0x40, s19, s20, $0xb8;
	[tilespmem:$0x1F400] =	vst v63  }
0x9e: {  	s17 =	sadd.s32 @!p0 $0x5E0, s17;
	s19 =	simm.s32 @!p0 $0x60;
	s20 =	simm.s32 @!p0 $0x11400  }
0x9f: {  	[tilespmem:s20], [sflag:$0x4] =	stream.indirect.gather @!p0 [hbm4b:s5+s19], $0x40, s17, s19, $0xb8;
	[tilespmem:$0x1F400] =	vst v63  }
0xa0: {  	p0 =	sne.s32 s16, $0x20  }
.Ltmp4:
0xa1: {  	s18 =	sadd.s32 s3, s18;
	(pc) =	sbr.rel @p0 .LBB2_2-.Ltmp4, $3  }
0xa2: {  	s18 =	smul.u32 $0x640, s18;
	_ =	sdelay $0x1  }
0xa3: {  	s22 =	sadd.s32 s2, s18  }
0xa4: {  	[hbm4b:s22+s4] =	stream.linear.scatter [tilespmem:s0], [sflag:$0x8], $0x3200, $0x38;
	[tilespmem:$0x1F400] =	vst v63  }
0xa5: {  	_ =	swait.ge [sflag:s10], $0x3200  }
0xa6: {  	[sflag:s10] =	ssyncset.done $0x0  }
0xa7: {  	[sflag:s10] =	ssyncadd.s32 $0xFFFFCE00  }
0xa8: {  	_ =	swait.ge [sflag:s12], $0x3200  }
0xa9: {  	[sflag:s12] =	ssyncset.done $0x0  }
0xaa: {  	s15 =	sadd.s32 $0x1, s15;
	[sflag:s12] =	ssyncadd.s32 $0xFFFFCE00  }
0xab: {  	p0 =	sne.s32 s15, s7;
	_ =	swait.ge [sflag:s13], $0x3200  }
.Ltmp5:
0xac: {  	[sflag:s13] =	ssyncset.done $0x0;
	(pc) =	sbr.rel @p0 .LBB2_1-.Ltmp5, $4  }
0xad: {  	[sflag:s13] =	ssyncadd.s32 $0xFFFFCE00  }
0xae: {  	_ =	swait.ge [sflag:s14], $0x3200  }
0xaf: {  	[sflag:s14] =	ssyncset.done $0x0  }
0xb0: {  	[sflag:s14] =	ssyncadd.s32 $0xFFFFCE00  }
0xb1: {  	_ =	sfence.sel $0x180000  }
0xb2: {  	[bflag:$0x0] =	sbarrier.arrive $0xFFFF  }
0xb3: {  	_ =	strace $0x90000047  }
0xb4: {  	s0 =	stileid.u32;
	[bflag:$0x2] =	sbarrier.arrive $0xFFFF  }
0xb5: {  	p0 =	sne.s32 s0, $0x0;
	s0 =	rddreg [dreg:$0x2]  }
0xb6: {  	s0 =	sadd.s32 @!p0 $0x100000, s0  }
0xb7: {  	[sflag:s0] =	ssyncadd.tile.s32 @!p0 $0x1;
	_ =	shalt  }
.Lfunc_end2:
_tile_overlayer_lowered:
.L_overlay_start_2:
0xb8: {  	(tag) =	ssettag $0x2  }
0xb9: {  	s0 =	rddreg [dreg:$0x0];
	s2 =	stileid.u32  }
0xba: {  	s1 =	rddreg [dreg:$0x1];
	p0 =	sne.s32 s2, $0x0  }
0xbb: {  	s3 =	rddreg [dreg:$0x2];
	[bflag:$0x3] =	sbarrier.arrive $0xFFFF;
	s2 =	simm.s32 @!p0 $0x1C09  }
0xbc: {  	[timem:s3], [sflag:s2] =	dma.local @!p0 [hbm:s0], s1  }
0xbd: {  	s0 =	simm.s32 @!p0 $0x9  }
0xbe: {  	_ =	swait.ge @!p0 [sflag:s0], s1  }
0xbf: {  	s1 =	ssub.s32 @!p0 $0x0, s1;
	[sflag:s0] =	ssyncset.done @!p0 $0x0  }
0xc0: {  	[sflag:s0] =	ssyncadd.s32 @!p0 s1  }
0xc1: {  	[bflag:$0x3] =	sbarrier.arrive $0xFFFF  }
0xc2: {  	_ =	shalt  }

</sc_bundles>
